<compile_context>
chip_gen: v7x
topology: tpu7x:2x2x1
jax: 0.10.2.dev20260603
libtpu: 0.0.44.dev20260713+nightly
codegen_flags: <defaults>
</compile_context>

<pallas_src>
import functools

import jax
import jax.numpy as jnp
from jax import lax
from jax.experimental import pallas as pl
from jax.experimental.pallas import tpu as pltpu
from jax.experimental.pallas import tpu_sc as plsc

N = 10000
NPAD = 10240
D = 128
E = 320000
EPAD = 327680
NW = 32
NS = 16
EPW = EPAD // NW
CH = 128
NCH = EPW // CH
HCH = NCH // 2
ROWS_PER_TILE = NPAD // NS

_mesh = plsc.VectorSubcoreMesh(core_axis_name="c", subcore_axis_name="s")


_EB = 4096


def _deg_tc_body(ids_ref, h_ref):
    i = pl.program_id(0)
    ids = ids_ref[...]
    lo = jnp.bitwise_and(ids, 127)
    hi = jnp.right_shift(ids, 7)
    il = lax.broadcasted_iota(jnp.int32, (1, 128), 1)
    ih = lax.broadcasted_iota(jnp.int32, (1, NPAD // 128), 1)
    oh_lo = (lo == il).astype(jnp.int8)
    oh_hi = (hi == ih).astype(jnp.int8)
    part = lax.dot_general(oh_hi, oh_lo, (((0,), (0,)), ((), ())),
                           preferred_element_type=jnp.int32).astype(
                               jnp.float32)

    @pl.when(i == 0)
    def _():
        h_ref[...] = part

    @pl.when(i > 0)
    def _():
        h_ref[...] += part


def _deg_tc(dst_col):
    return pl.pallas_call(
        _deg_tc_body,
        grid=(EPAD // _EB,),
        in_specs=[pl.BlockSpec((_EB, 1), lambda i: (i, 0))],
        out_specs=pl.BlockSpec((NPAD // 128, 128), lambda i: (0, 0)),
        out_shape=jax.ShapeDtypeStruct((NPAD // 128, 128), jnp.float32),
    )(dst_col)


def _agg_body(yw_hbm, src_hbm, dst_hbm, zer_hbm, out_hbm, src_v, dst_v,
              rows0, rows1, agg_sh, gsem, ssem):
    c = lax.axis_index("c")
    s = lax.axis_index("s")
    w = c * NS + s

    pltpu.sync_copy(zer_hbm, agg_sh.at[pl.ds(s * ROWS_PER_TILE,
                                             ROWS_PER_TILE)])
    plsc.subcore_barrier()

    def g(j, buf):
        pltpu.async_copy(yw_hbm.at[src_v.at[j]], buf, gsem)

    def gwait(j, buf):
        pltpu.make_async_copy(yw_hbm.at[src_v.at[j]], buf, gsem).wait()

    def sca(j, buf):
        pltpu.sync_copy(buf, agg_sh.at[dst_v.at[j]], add=True)

    for p in range(2):
        cps = pltpu.async_copy(
            src_hbm.at[pl.ds(w * NCH + p * HCH, HCH)], src_v, gsem)
        cpd = pltpu.async_copy(
            dst_hbm.at[pl.ds(w * NCH + p * HCH, HCH)], dst_v, gsem)
        cps.wait()
        cpd.wait()

        g(0, rows0)

        @pl.loop(0, HCH - 2, step=2)
        def _(j):
            gwait(j, rows0)
            g(j + 1, rows1)
            sca(j, rows0)
            gwait(j + 1, rows1)
            g(j + 2, rows0)
            sca(j + 1, rows1)

        gwait(HCH - 2, rows0)
        g(HCH - 1, rows1)
        sca(HCH - 2, rows0)
        gwait(HCH - 1, rows1)
        sca(HCH - 1, rows1)

    plsc.subcore_barrier()
    pltpu.sync_copy(agg_sh.at[pl.ds(s * ROWS_PER_TILE, ROWS_PER_TILE)],
                    out_hbm.at[c, pl.ds(s * ROWS_PER_TILE, ROWS_PER_TILE)])


@functools.partial(
    pl.kernel,
    out_type=jax.ShapeDtypeStruct((2, NPAD, D), jnp.float32),
    mesh=_mesh,
    scratch_types=[
        pltpu.VMEM((HCH, CH), jnp.int32),
        pltpu.VMEM((HCH, CH), jnp.int32),
        pltpu.VMEM((CH, D), jnp.float32),
        pltpu.VMEM((CH, D), jnp.float32),
        pltpu.VMEM_SHARED((NPAD, D), jnp.float32),
        pltpu.SemaphoreType.DMA,
        pltpu.SemaphoreType.DMA,
    ],
)
def _agg_kernel(yw_hbm, src_hbm, dst_hbm, zer_hbm, out_hbm, src_v, dst_v,
                rows0, rows1, agg_sh, gsem, ssem):
    _agg_body(yw_hbm, src_hbm, dst_hbm, zer_hbm, out_hbm, src_v, dst_v,
              rows0, rows1, agg_sh, gsem, ssem)


_BLK = 512
_GRID = NPAD // _BLK


def _tc1_body(x_ref, w1_ref, deg_ref, yw_ref, dinv_ref):
    dinv = lax.rsqrt(deg_ref[...] + 1.0)
    xw = jnp.dot(x_ref[...], w1_ref[...], preferred_element_type=jnp.float32)
    yw_ref[...] = xw * dinv
    dinv_ref[...] = dinv


def _tc1(x_pad, W1, deg):
    return pl.pallas_call(
        _tc1_body,
        grid=(_GRID,),
        in_specs=[
            pl.BlockSpec((_BLK, D), lambda i: (i, 0)),
            pl.BlockSpec((D, D), lambda i: (0, 0)),
            pl.BlockSpec((_BLK, 1), lambda i: (i, 0)),
        ],
        out_specs=[
            pl.BlockSpec((_BLK, D), lambda i: (i, 0)),
            pl.BlockSpec((_BLK, 1), lambda i: (i, 0)),
        ],
        out_shape=[
            jax.ShapeDtypeStruct((NPAD, D), jnp.float32),
            jax.ShapeDtypeStruct((NPAD, 1), jnp.float32),
        ],
    )(x_pad, W1, deg)


def _tc2_body(a0_ref, a1_ref, yw_ref, dinv_ref, b_ref, w_ref, out_ref):
    dinv = dinv_ref[...]
    h = dinv * (a0_ref[...] + a1_ref[...] + yw_ref[...]) + b_ref[...]
    h = jnp.maximum(h, 0.0)
    out_ref[...] = jnp.dot(h, w_ref[...],
                           preferred_element_type=jnp.float32) * dinv


def _tc2(a0, a1, yw, dinv, b1, W2):
    return pl.pallas_call(
        _tc2_body,
        grid=(_GRID,),
        in_specs=[
            pl.BlockSpec((_BLK, D), lambda i: (i, 0)),
            pl.BlockSpec((_BLK, D), lambda i: (i, 0)),
            pl.BlockSpec((_BLK, D), lambda i: (i, 0)),
            pl.BlockSpec((_BLK, 1), lambda i: (i, 0)),
            pl.BlockSpec((1, D), lambda i: (0, 0)),
            pl.BlockSpec((D, D), lambda i: (0, 0)),
        ],
        out_specs=pl.BlockSpec((_BLK, D), lambda i: (i, 0)),
        out_shape=jax.ShapeDtypeStruct((NPAD, D), jnp.float32),
    )(a0, a1, yw, dinv, b1, W2)


def _tc3_body(a0_ref, a1_ref, yw_ref, dinv_ref, b_ref, wc_ref, bc_ref,
              out_ref):
    h = dinv_ref[...] * (a0_ref[...] + a1_ref[...] + yw_ref[...]) + b_ref[...]
    h = jnp.maximum(h, 0.0)
    out_ref[...] = jnp.dot(h, wc_ref[...],
                           preferred_element_type=jnp.float32) + bc_ref[...]


def _tc3(a0, a1, yw, dinv, b2, Wc, bc):
    return pl.pallas_call(
        _tc3_body,
        grid=(_GRID,),
        in_specs=[
            pl.BlockSpec((_BLK, D), lambda i: (i, 0)),
            pl.BlockSpec((_BLK, D), lambda i: (i, 0)),
            pl.BlockSpec((_BLK, D), lambda i: (i, 0)),
            pl.BlockSpec((_BLK, 1), lambda i: (i, 0)),
            pl.BlockSpec((1, D), lambda i: (0, 0)),
            pl.BlockSpec((D, 2), lambda i: (0, 0)),
            pl.BlockSpec((1, 2), lambda i: (0, 0)),
        ],
        out_specs=pl.BlockSpec((_BLK, 2), lambda i: (i, 0)),
        out_shape=jax.ShapeDtypeStruct((NPAD, 2), jnp.float32),
    )(a0, a1, yw, dinv, b2, Wc, bc)


def kernel(x, edge_index, W1, b1, W2, b2, Wc, bc):
    src = edge_index[0].astype(jnp.int32)
    dst = edge_index[1].astype(jnp.int32)
    src2d = jnp.concatenate(
        [src, jnp.zeros((EPAD - E,), jnp.int32)]).reshape(EPAD // CH, CH)
    dst2d = jnp.concatenate(
        [dst, jnp.full((EPAD - E,), NPAD - 1, jnp.int32)]).reshape(
            EPAD // CH, CH)
    x_pad = jnp.concatenate(
        [x, jnp.zeros((NPAD - N, D), jnp.float32)], axis=0)

    zer_rows = jnp.zeros((ROWS_PER_TILE, D), jnp.float32)

    deg = _deg_tc(dst2d.reshape(EPAD, 1)).reshape(NPAD, 1)

    yw1, dinv = _tc1(x_pad, W1, deg)

    agg1 = _agg_kernel(yw1, src2d, dst2d, zer_rows)
    yw2 = _tc2(agg1[0], agg1[1], yw1, dinv, b1.reshape(1, D), W2)

    agg2 = _agg_kernel(yw2, src2d, dst2d, zer_rows)
    out = _tc3(agg2[0], agg2[1], yw2, dinv, b2.reshape(1, D), Wc,
               bc.reshape(1, 2))
    return out[:N]

# --- scband reference (transcript-rebuilt; emitter-appended) ---
"""Pipeline reference for scband-fraud-gcn-44109314130595 (READ-ONLY COPY).

The authoritative reference and input builder live on the scoring server;
editing this copy changes nothing except your own understanding.
"""

import jax, jax.numpy as jnp
import numpy as np

N_NODES = 10000
D_IN = 128
D_HID = 128


def gcn_conv(x, edge_index, W, b, num_nodes):
    # x' = D^{-1/2} (A + I) D^{-1/2} (X W) + b  (PyG GCNConv semantics)
    xw = x @ W
    src = edge_index[0]
    dst = edge_index[1]
    loop = jnp.arange(num_nodes, dtype=src.dtype)
    src = jnp.concatenate([src, loop])
    dst = jnp.concatenate([dst, loop])
    deg = jnp.zeros((num_nodes,), dtype=xw.dtype).at[dst].add(1.0)
    dinv = jnp.where(deg > 0, jax.lax.rsqrt(deg), 0.0)
    norm = dinv[src] * dinv[dst]
    msg = xw[src] * norm[:, None]
    out = jnp.zeros((num_nodes, xw.shape[1]), dtype=xw.dtype).at[dst].add(msg)
    return out + b


def setup_inputs(seed: int = 0) -> dict:
    key = jax.random.key(seed)
    k_x, k_e, k1, k2, k3 = jax.random.split(key, 5)
    x = jax.random.normal(k_x, (N_NODES, D_IN), dtype=jnp.float32)
    edge_index = jax.random.randint(k_e, (2, 320000), 0, N_NODES, dtype=jnp.int64)
    s1 = 1.0 / np.sqrt(D_IN)
    s2 = 1.0 / np.sqrt(D_HID)
    W1 = jax.random.normal(jax.random.fold_in(k1, 0), (D_IN, D_HID), dtype=jnp.float32) * s1
    b1 = jnp.zeros((D_HID,), dtype=jnp.float32)
    W2 = jax.random.normal(jax.random.fold_in(k2, 0), (D_HID, D_HID), dtype=jnp.float32) * s2
    b2 = jnp.zeros((D_HID,), dtype=jnp.float32)
    Wc = jax.random.normal(jax.random.fold_in(k3, 0), (D_HID, 2), dtype=jnp.float32) * s2
    bc = jnp.zeros((2,), dtype=jnp.float32)
    return {"x": x, "edge_index": edge_index, "W1": W1, "b1": b1, "W2": W2, "b2": b2, "Wc": Wc, "bc": bc}


def reference(x, edge_index, W1, b1, W2, b2, Wc, bc):
    num_nodes = x.shape[0]
    h = gcn_conv(x, edge_index, W1, b1, num_nodes)
    h = jax.nn.relu(h)
    # dropout is identity in eval mode
    h = gcn_conv(h, edge_index, W2, b2, num_nodes)
    h = jax.nn.relu(h)
    return h @ Wc + bc

if __name__ == "__main__":
    import jax
    _d = setup_inputs()
    print(jax.jit(kernel)(*tuple(_d.values())))

</pallas_src>

<mosaic_0001>
#map = affine_map<(d0, d1) -> (0, 0)>
#map1 = affine_map<(d0, d1) -> (0, 0, 0)>
module attributes {stable_mosaic.version = 14 : i64} {
  func.func @_agg_kernel(%arg0: i32, %arg1: i32, %arg2: memref<10240x128xf32, #tpu.memory_space<hbm>>, %arg3: memref<2560x128xi32, #tpu.memory_space<hbm>>, %arg4: memref<2560x128xi32, #tpu.memory_space<hbm>>, %arg5: memref<640x128xf32, #tpu.memory_space<hbm>>, %arg6: memref<2x10240x128xf32, #tpu.memory_space<hbm>>, %arg7: memref<40x128xi32, #tpu.memory_space<vmem>>, %arg8: memref<40x128xi32, #tpu.memory_space<vmem>>, %arg9: memref<128x128xf32, #tpu.memory_space<vmem>>, %arg10: memref<128x128xf32, #tpu.memory_space<vmem>>, %arg11: memref<10240x128xf32, #tpu.memory_space<vmem_shared>>, %arg12: memref<!tpu.dma_semaphore, #tpu.memory_space<semaphore_mem>>, %arg13: memref<!tpu.dma_semaphore, #tpu.memory_space<semaphore_mem>>) attributes {dimension_semantics = [#tpu.dimension_semantics<core_parallel>, #tpu.dimension_semantics<subcore_parallel>], iteration_bounds = array<i64: 2, 16>, scalar_prefetch = 0 : i64, scratch_operands = 7 : i64, tpu.core_type = #tpu.core_type<sc_vector_subcore>, window_params = [{transform_indices = #map}, {transform_indices = #map}, {transform_indices = #map}, {transform_indices = #map}, {transform_indices = #map1}]} {
    %mul3A = arith.constant 16 : i32
    %mul3A_0 = arith.muli %arg0, %mul3A : i32
    %add3A = arith.addi %mul3A_0, %arg1 : i32
    %mul3A_1 = arith.constant 640 : i32
    %mul3A_2 = arith.muli %arg1, %mul3A_1 : i32
    "tpu.region"() ({
      %run_scoped3A_122 = tpu.sem_alloc : memref<!tpu.dma_semaphore, #tpu.memory_space<semaphore_mem>>
      %dma_start3A_123 = arith.constant 0 : i32
      %dma_start3A_124 = tpu.memref_slice %arg11[%mul3A_2, %dma_start3A_123] : memref<10240x128xf32, #tpu.memory_space<vmem_shared>> -> memref<640x128xf32, #tpu.memory_space<vmem_shared>>
      tpu.enqueue_dma source(%arg5 : memref<640x128xf32, #tpu.memory_space<hbm>>) target(%dma_start3A_124 : memref<640x128xf32, #tpu.memory_space<vmem_shared>>) target_semaphore(%run_scoped3A_122 : memref<!tpu.dma_semaphore, #tpu.memory_space<semaphore_mem>>)
      %dma_wait3A_125 = arith.constant 0 : i32
      %dma_wait3A_126 = tpu.memref_slice %arg11[%mul3A_2, %dma_wait3A_125] : memref<10240x128xf32, #tpu.memory_space<vmem_shared>> -> memref<640x128xf32, #tpu.memory_space<vmem_shared>>
      tpu.wait_dma2 semaphore(%run_scoped3A_122 : memref<!tpu.dma_semaphore, #tpu.memory_space<semaphore_mem>>) src(%arg5 : memref<640x128xf32, #tpu.memory_space<hbm>>) dst(%dma_wait3A_126 : memref<640x128xf32, #tpu.memory_space<vmem_shared>>)
      tpu.yield
    }) : () -> ()
    %barrier3A = arith.constant 0 : index
    tpu.barrier barrier_id(%barrier3A)
    %mul3A_3 = arith.constant 80 : i32
    %mul3A_4 = arith.muli %add3A, %mul3A_3 : i32
    %add3A_5 = arith.constant 0 : i32
    %add3A_6 = arith.addi %mul3A_4, %add3A_5 : i32
    %dma_start3A = arith.constant 0 : i32
    %dma_start3A_7 = tpu.memref_slice %arg3[%add3A_6, %dma_start3A] : memref<2560x128xi32, #tpu.memory_space<hbm>> -> memref<40x128xi32, #tpu.memory_space<hbm>>
    %dma_start3A_8 = arith.constant 0 : i32
    %dma_start3A_9 = tpu.memref_slice %arg3[%add3A_6, %dma_start3A_8] : memref<2560x128xi32, #tpu.memory_space<hbm>> -> memref<40x128xi32, #tpu.memory_space<hbm>>
    tpu.enqueue_dma source(%dma_start3A_9 : memref<40x128xi32, #tpu.memory_space<hbm>>) target(%arg7 : memref<40x128xi32, #tpu.memory_space<vmem>>) target_semaphore(%arg12 : memref<!tpu.dma_semaphore, #tpu.memory_space<semaphore_mem>>)
    %mul3A_10 = arith.constant 80 : i32
    %mul3A_11 = arith.muli %add3A, %mul3A_10 : i32
    %add3A_12 = arith.constant 0 : i32
    %add3A_13 = arith.addi %mul3A_11, %add3A_12 : i32
    %dma_start3A_14 = arith.constant 0 : i32
    %dma_start3A_15 = tpu.memref_slice %arg4[%add3A_13, %dma_start3A_14] : memref<2560x128xi32, #tpu.memory_space<hbm>> -> memref<40x128xi32, #tpu.memory_space<hbm>>
    %dma_start3A_16 = arith.constant 0 : i32
    %dma_start3A_17 = tpu.memref_slice %arg4[%add3A_13, %dma_start3A_16] : memref<2560x128xi32, #tpu.memory_space<hbm>> -> memref<40x128xi32, #tpu.memory_space<hbm>>
    tpu.enqueue_dma source(%dma_start3A_17 : memref<40x128xi32, #tpu.memory_space<hbm>>) target(%arg8 : memref<40x128xi32, #tpu.memory_space<vmem>>) target_semaphore(%arg12 : memref<!tpu.dma_semaphore, #tpu.memory_space<semaphore_mem>>)
    %dma_wait3A = arith.constant 0 : i32
    %dma_wait3A_18 = tpu.memref_slice %arg3[%add3A_6, %dma_wait3A] : memref<2560x128xi32, #tpu.memory_space<hbm>> -> memref<40x128xi32, #tpu.memory_space<hbm>>
    %dma_wait3A_19 = arith.constant 0 : i32
    %dma_wait3A_20 = tpu.memref_slice %arg3[%add3A_6, %dma_wait3A_19] : memref<2560x128xi32, #tpu.memory_space<hbm>> -> memref<40x128xi32, #tpu.memory_space<hbm>>
    tpu.wait_dma2 semaphore(%arg12 : memref<!tpu.dma_semaphore, #tpu.memory_space<semaphore_mem>>) src(%dma_wait3A_20 : memref<40x128xi32, #tpu.memory_space<hbm>>) dst(%arg7 : memref<40x128xi32, #tpu.memory_space<vmem>>)
    %dma_wait3A_21 = arith.constant 0 : i32
    %dma_wait3A_22 = tpu.memref_slice %arg4[%add3A_13, %dma_wait3A_21] : memref<2560x128xi32, #tpu.memory_space<hbm>> -> memref<40x128xi32, #tpu.memory_space<hbm>>
    %dma_wait3A_23 = arith.constant 0 : i32
    %dma_wait3A_24 = tpu.memref_slice %arg4[%add3A_13, %dma_wait3A_23] : memref<2560x128xi32, #tpu.memory_space<hbm>> -> memref<40x128xi32, #tpu.memory_space<hbm>>
    tpu.wait_dma2 semaphore(%arg12 : memref<!tpu.dma_semaphore, #tpu.memory_space<semaphore_mem>>) src(%dma_wait3A_24 : memref<40x128xi32, #tpu.memory_space<hbm>>) dst(%arg8 : memref<40x128xi32, #tpu.memory_space<vmem>>)
    %dma_start3A_25 = arith.constant 0 : i32
    %dma_start3A_26 = arith.constant 0 : i32
    %dma_start3A_27 = tpu.memref_slice %arg7[%dma_start3A_25, %dma_start3A_26] : memref<40x128xi32, #tpu.memory_space<vmem>> -> memref<1x128xi32, #tpu.memory_space<vmem>>
    %dma_start3A_28 = tpu.memref_squeeze %dma_start3A_27 : memref<1x128xi32, #tpu.memory_space<vmem>> -> memref<128xi32, #tpu.memory_space<vmem>>
    %dma_start3A_29 = arith.constant 0 : i32
    %dma_start3A_30 = arith.constant 0 : i32
    %dma_start3A_31 = tpu.memref_slice %arg2[%dma_start3A_29, %dma_start3A_30] : memref<10240x128xf32, #tpu.memory_space<hbm>> -> memref<10240x128xf32, #tpu.memory_space<hbm>>
    tpu.enqueue_indirect_dma source(%dma_start3A_31 : memref<10240x128xf32, #tpu.memory_space<hbm>>) target(%arg9 : memref<128x128xf32, #tpu.memory_space<vmem>>) offsets(%dma_start3A_28 : memref<128xi32, #tpu.memory_space<vmem>>) semaphore(%arg12 : memref<!tpu.dma_semaphore, #tpu.memory_space<semaphore_mem>>)
    %scan3A = arith.constant 0 : i32
    %scan3A_32 = arith.constant 19 : i32
    %scan3A_33 = arith.addi %scan3A, %scan3A_32 : i32
    %scan3A_34 = arith.constant 1 : i32
    scf.for %scan3A_122 = %scan3A to %scan3A_33 step %scan3A_34  : i32 {
      %mul3A_123 = arith.constant 2 : i32
      %mul3A_124 = arith.muli %scan3A_122, %mul3A_123 : i32
      %add3A_125 = arith.constant 0 : i32
      %add3A_126 = arith.addi %add3A_125, %mul3A_124 : i32
      %dma_wait3A_127 = arith.constant 0 : i32
      %dma_wait3A_128 = tpu.memref_slice %arg7[%add3A_126, %dma_wait3A_127] : memref<40x128xi32, #tpu.memory_space<vmem>> -> memref<1x128xi32, #tpu.memory_space<vmem>>
      %dma_wait3A_129 = tpu.memref_squeeze %dma_wait3A_128 : memref<1x128xi32, #tpu.memory_space<vmem>> -> memref<128xi32, #tpu.memory_space<vmem>>
      %dma_wait3A_130 = arith.constant 0 : i32
      %dma_wait3A_131 = arith.constant 0 : i32
      %dma_wait3A_132 = tpu.memref_slice %arg2[%dma_wait3A_130, %dma_wait3A_131] : memref<10240x128xf32, #tpu.memory_space<hbm>> -> memref<10240x128xf32, #tpu.memory_space<hbm>>
      tpu.wait_indirect_dma semaphore(%arg12 : memref<!tpu.dma_semaphore, #tpu.memory_space<semaphore_mem>>) src(%dma_wait3A_132 : memref<10240x128xf32, #tpu.memory_space<hbm>>) dst(%arg9 : memref<128x128xf32, #tpu.memory_space<vmem>>)
      %add3A_133 = arith.constant 1 : i32
      %add3A_134 = arith.addi %add3A_126, %add3A_133 : i32
      %dma_start3A_135 = arith.constant 0 : i32
      %dma_start3A_136 = tpu.memref_slice %arg7[%add3A_134, %dma_start3A_135] : memref<40x128xi32, #tpu.memory_space<vmem>> -> memref<1x128xi32, #tpu.memory_space<vmem>>
      %dma_start3A_137 = tpu.memref_squeeze %dma_start3A_136 : memref<1x128xi32, #tpu.memory_space<vmem>> -> memref<128xi32, #tpu.memory_space<vmem>>
      %dma_start3A_138 = arith.constant 0 : i32
      %dma_start3A_139 = arith.constant 0 : i32
      %dma_start3A_140 = tpu.memref_slice %arg2[%dma_start3A_138, %dma_start3A_139] : memref<10240x128xf32, #tpu.memory_space<hbm>> -> memref<10240x128xf32, #tpu.memory_space<hbm>>
      tpu.enqueue_indirect_dma source(%dma_start3A_140 : memref<10240x128xf32, #tpu.memory_space<hbm>>) target(%arg10 : memref<128x128xf32, #tpu.memory_space<vmem>>) offsets(%dma_start3A_137 : memref<128xi32, #tpu.memory_space<vmem>>) semaphore(%arg12 : memref<!tpu.dma_semaphore, #tpu.memory_space<semaphore_mem>>)
      "tpu.region"() ({
        %run_scoped3A_159 = tpu.sem_alloc : memref<!tpu.dma_semaphore, #tpu.memory_space<semaphore_mem>>
        %dma_start3A_160 = arith.constant 0 : i32
        %dma_start3A_161 = tpu.memref_slice %arg8[%add3A_126, %dma_start3A_160] : memref<40x128xi32, #tpu.memory_space<vmem>> -> memref<1x128xi32, #tpu.memory_space<vmem>>
        %dma_start3A_162 = tpu.memref_squeeze %dma_start3A_161 : memref<1x128xi32, #tpu.memory_space<vmem>> -> memref<128xi32, #tpu.memory_space<vmem>>
        %dma_start3A_163 = arith.constant 0 : i32
        %dma_start3A_164 = arith.constant 0 : i32
        %dma_start3A_165 = tpu.memref_slice %arg11[%dma_start3A_163, %dma_start3A_164] : memref<10240x128xf32, #tpu.memory_space<vmem_shared>> -> memref<10240x128xf32, #tpu.memory_space<vmem_shared>>
        tpu.enqueue_indirect_dma source(%arg9 : memref<128x128xf32, #tpu.memory_space<vmem>>) target(%dma_start3A_165 : memref<10240x128xf32, #tpu.memory_space<vmem_shared>>) offsets(%dma_start3A_162 : memref<128xi32, #tpu.memory_space<vmem>>) semaphore(%run_scoped3A_159 : memref<!tpu.dma_semaphore, #tpu.memory_space<semaphore_mem>>) {add = true}
        %dma_wait3A_166 = arith.constant 0 : i32
        %dma_wait3A_167 = tpu.memref_slice %arg8[%add3A_126, %dma_wait3A_166] : memref<40x128xi32, #tpu.memory_space<vmem>> -> memref<1x128xi32, #tpu.memory_space<vmem>>
        %dma_wait3A_168 = tpu.memref_squeeze %dma_wait3A_167 : memref<1x128xi32, #tpu.memory_space<vmem>> -> memref<128xi32, #tpu.memory_space<vmem>>
        %dma_wait3A_169 = arith.constant 0 : i32
        %dma_wait3A_170 = arith.constant 0 : i32
        %dma_wait3A_171 = tpu.memref_slice %arg11[%dma_wait3A_169, %dma_wait3A_170] : memref<10240x128xf32, #tpu.memory_space<vmem_shared>> -> memref<10240x128xf32, #tpu.memory_space<vmem_shared>>
        tpu.wait_indirect_dma semaphore(%run_scoped3A_159 : memref<!tpu.dma_semaphore, #tpu.memory_space<semaphore_mem>>) src(%arg9 : memref<128x128xf32, #tpu.memory_space<vmem>>) dst(%dma_wait3A_171 : memref<10240x128xf32, #tpu.memory_space<vmem_shared>>)
        tpu.yield
      }) : () -> ()
      %add3A_141 = arith.constant 1 : i32
      %add3A_142 = arith.addi %add3A_126, %add3A_141 : i32
      %dma_wait3A_143 = arith.constant 0 : i32
      %dma_wait3A_144 = tpu.memref_slice %arg7[%add3A_142, %dma_wait3A_143] : memref<40x128xi32, #tpu.memory_space<vmem>> -> memref<1x128xi32, #tpu.memory_space<vmem>>
      %dma_wait3A_145 = tpu.memref_squeeze %dma_wait3A_144 : memref<1x128xi32, #tpu.memory_space<vmem>> -> memref<128xi32, #tpu.memory_space<vmem>>
      %dma_wait3A_146 = arith.constant 0 : i32
      %dma_wait3A_147 = arith.constant 0 : i32
      %dma_wait3A_148 = tpu.memref_slice %arg2[%dma_wait3A_146, %dma_wait3A_147] : memref<10240x128xf32, #tpu.memory_space<hbm>> -> memref<10240x128xf32, #tpu.memory_space<hbm>>
      tpu.wait_indirect_dma semaphore(%arg12 : memref<!tpu.dma_semaphore, #tpu.memory_space<semaphore_mem>>) src(%dma_wait3A_148 : memref<10240x128xf32, #tpu.memory_space<hbm>>) dst(%arg10 : memref<128x128xf32, #tpu.memory_space<vmem>>)
      %add3A_149 = arith.constant 2 : i32
      %add3A_150 = arith.addi %add3A_126, %add3A_149 : i32
      %dma_start3A_151 = arith.constant 0 : i32
      %dma_start3A_152 = tpu.memref_slice %arg7[%add3A_150, %dma_start3A_151] : memref<40x128xi32, #tpu.memory_space<vmem>> -> memref<1x128xi32, #tpu.memory_space<vmem>>
      %dma_start3A_153 = tpu.memref_squeeze %dma_start3A_152 : memref<1x128xi32, #tpu.memory_space<vmem>> -> memref<128xi32, #tpu.memory_space<vmem>>
      %dma_start3A_154 = arith.constant 0 : i32
      %dma_start3A_155 = arith.constant 0 : i32
      %dma_start3A_156 = tpu.memref_slice %arg2[%dma_start3A_154, %dma_start3A_155] : memref<10240x128xf32, #tpu.memory_space<hbm>> -> memref<10240x128xf32, #tpu.memory_space<hbm>>
      tpu.enqueue_indirect_dma source(%dma_start3A_156 : memref<10240x128xf32, #tpu.memory_space<hbm>>) target(%arg9 : memref<128x128xf32, #tpu.memory_space<vmem>>) offsets(%dma_start3A_153 : memref<128xi32, #tpu.memory_space<vmem>>) semaphore(%arg12 : memref<!tpu.dma_semaphore, #tpu.memory_space<semaphore_mem>>)
      %add3A_157 = arith.constant 1 : i32
      %add3A_158 = arith.addi %add3A_126, %add3A_157 : i32
      "tpu.region"() ({
        %run_scoped3A_159 = tpu.sem_alloc : memref<!tpu.dma_semaphore, #tpu.memory_space<semaphore_mem>>
        %dma_start3A_160 = arith.constant 0 : i32
        %dma_start3A_161 = tpu.memref_slice %arg8[%add3A_158, %dma_start3A_160] : memref<40x128xi32, #tpu.memory_space<vmem>> -> memref<1x128xi32, #tpu.memory_space<vmem>>
        %dma_start3A_162 = tpu.memref_squeeze %dma_start3A_161 : memref<1x128xi32, #tpu.memory_space<vmem>> -> memref<128xi32, #tpu.memory_space<vmem>>
        %dma_start3A_163 = arith.constant 0 : i32
        %dma_start3A_164 = arith.constant 0 : i32
        %dma_start3A_165 = tpu.memref_slice %arg11[%dma_start3A_163, %dma_start3A_164] : memref<10240x128xf32, #tpu.memory_space<vmem_shared>> -> memref<10240x128xf32, #tpu.memory_space<vmem_shared>>
        tpu.enqueue_indirect_dma source(%arg10 : memref<128x128xf32, #tpu.memory_space<vmem>>) target(%dma_start3A_165 : memref<10240x128xf32, #tpu.memory_space<vmem_shared>>) offsets(%dma_start3A_162 : memref<128xi32, #tpu.memory_space<vmem>>) semaphore(%run_scoped3A_159 : memref<!tpu.dma_semaphore, #tpu.memory_space<semaphore_mem>>) {add = true}
        %dma_wait3A_166 = arith.constant 0 : i32
        %dma_wait3A_167 = tpu.memref_slice %arg8[%add3A_158, %dma_wait3A_166] : memref<40x128xi32, #tpu.memory_space<vmem>> -> memref<1x128xi32, #tpu.memory_space<vmem>>
        %dma_wait3A_168 = tpu.memref_squeeze %dma_wait3A_167 : memref<1x128xi32, #tpu.memory_space<vmem>> -> memref<128xi32, #tpu.memory_space<vmem>>
        %dma_wait3A_169 = arith.constant 0 : i32
        %dma_wait3A_170 = arith.constant 0 : i32
        %dma_wait3A_171 = tpu.memref_slice %arg11[%dma_wait3A_169, %dma_wait3A_170] : memref<10240x128xf32, #tpu.memory_space<vmem_shared>> -> memref<10240x128xf32, #tpu.memory_space<vmem_shared>>
        tpu.wait_indirect_dma semaphore(%run_scoped3A_159 : memref<!tpu.dma_semaphore, #tpu.memory_space<semaphore_mem>>) src(%arg10 : memref<128x128xf32, #tpu.memory_space<vmem>>) dst(%dma_wait3A_171 : memref<10240x128xf32, #tpu.memory_space<vmem_shared>>)
        tpu.yield
      }) : () -> ()
    }
    %scan3A_35 = arith.constant 19 : i32
    %dma_wait3A_36 = arith.constant 38 : i32
    %dma_wait3A_37 = arith.constant 0 : i32
    %dma_wait3A_38 = tpu.memref_slice %arg7[%dma_wait3A_36, %dma_wait3A_37] : memref<40x128xi32, #tpu.memory_space<vmem>> -> memref<1x128xi32, #tpu.memory_space<vmem>>
    %dma_wait3A_39 = tpu.memref_squeeze %dma_wait3A_38 : memref<1x128xi32, #tpu.memory_space<vmem>> -> memref<128xi32, #tpu.memory_space<vmem>>
    %dma_wait3A_40 = arith.constant 0 : i32
    %dma_wait3A_41 = arith.constant 0 : i32
    %dma_wait3A_42 = tpu.memref_slice %arg2[%dma_wait3A_40, %dma_wait3A_41] : memref<10240x128xf32, #tpu.memory_space<hbm>> -> memref<10240x128xf32, #tpu.memory_space<hbm>>
    tpu.wait_indirect_dma semaphore(%arg12 : memref<!tpu.dma_semaphore, #tpu.memory_space<semaphore_mem>>) src(%dma_wait3A_42 : memref<10240x128xf32, #tpu.memory_space<hbm>>) dst(%arg9 : memref<128x128xf32, #tpu.memory_space<vmem>>)
    %dma_start3A_43 = arith.constant 39 : i32
    %dma_start3A_44 = arith.constant 0 : i32
    %dma_start3A_45 = tpu.memref_slice %arg7[%dma_start3A_43, %dma_start3A_44] : memref<40x128xi32, #tpu.memory_space<vmem>> -> memref<1x128xi32, #tpu.memory_space<vmem>>
    %dma_start3A_46 = tpu.memref_squeeze %dma_start3A_45 : memref<1x128xi32, #tpu.memory_space<vmem>> -> memref<128xi32, #tpu.memory_space<vmem>>
    %dma_start3A_47 = arith.constant 0 : i32
    %dma_start3A_48 = arith.constant 0 : i32
    %dma_start3A_49 = tpu.memref_slice %arg2[%dma_start3A_47, %dma_start3A_48] : memref<10240x128xf32, #tpu.memory_space<hbm>> -> memref<10240x128xf32, #tpu.memory_space<hbm>>
    tpu.enqueue_indirect_dma source(%dma_start3A_49 : memref<10240x128xf32, #tpu.memory_space<hbm>>) target(%arg10 : memref<128x128xf32, #tpu.memory_space<vmem>>) offsets(%dma_start3A_46 : memref<128xi32, #tpu.memory_space<vmem>>) semaphore(%arg12 : memref<!tpu.dma_semaphore, #tpu.memory_space<semaphore_mem>>)
    %run_scoped3A = arith.constant 38 : i32
    "tpu.region"() ({
      %run_scoped3A_122 = tpu.sem_alloc : memref<!tpu.dma_semaphore, #tpu.memory_space<semaphore_mem>>
      %dma_start3A_123 = arith.constant 0 : i32
      %dma_start3A_124 = tpu.memref_slice %arg8[%run_scoped3A, %dma_start3A_123] : memref<40x128xi32, #tpu.memory_space<vmem>> -> memref<1x128xi32, #tpu.memory_space<vmem>>
      %dma_start3A_125 = tpu.memref_squeeze %dma_start3A_124 : memref<1x128xi32, #tpu.memory_space<vmem>> -> memref<128xi32, #tpu.memory_space<vmem>>
      %dma_start3A_126 = arith.constant 0 : i32
      %dma_start3A_127 = arith.constant 0 : i32
      %dma_start3A_128 = tpu.memref_slice %arg11[%dma_start3A_126, %dma_start3A_127] : memref<10240x128xf32, #tpu.memory_space<vmem_shared>> -> memref<10240x128xf32, #tpu.memory_space<vmem_shared>>
      tpu.enqueue_indirect_dma source(%arg9 : memref<128x128xf32, #tpu.memory_space<vmem>>) target(%dma_start3A_128 : memref<10240x128xf32, #tpu.memory_space<vmem_shared>>) offsets(%dma_start3A_125 : memref<128xi32, #tpu.memory_space<vmem>>) semaphore(%run_scoped3A_122 : memref<!tpu.dma_semaphore, #tpu.memory_space<semaphore_mem>>) {add = true}
      %dma_wait3A_129 = arith.constant 0 : i32
      %dma_wait3A_130 = tpu.memref_slice %arg8[%run_scoped3A, %dma_wait3A_129] : memref<40x128xi32, #tpu.memory_space<vmem>> -> memref<1x128xi32, #tpu.memory_space<vmem>>
      %dma_wait3A_131 = tpu.memref_squeeze %dma_wait3A_130 : memref<1x128xi32, #tpu.memory_space<vmem>> -> memref<128xi32, #tpu.memory_space<vmem>>
      %dma_wait3A_132 = arith.constant 0 : i32
      %dma_wait3A_133 = arith.constant 0 : i32
      %dma_wait3A_134 = tpu.memref_slice %arg11[%dma_wait3A_132, %dma_wait3A_133] : memref<10240x128xf32, #tpu.memory_space<vmem_shared>> -> memref<10240x128xf32, #tpu.memory_space<vmem_shared>>
      tpu.wait_indirect_dma semaphore(%run_scoped3A_122 : memref<!tpu.dma_semaphore, #tpu.memory_space<semaphore_mem>>) src(%arg9 : memref<128x128xf32, #tpu.memory_space<vmem>>) dst(%dma_wait3A_134 : memref<10240x128xf32, #tpu.memory_space<vmem_shared>>)
      tpu.yield
    }) : () -> ()
    %dma_wait3A_50 = arith.constant 39 : i32
    %dma_wait3A_51 = arith.constant 0 : i32
    %dma_wait3A_52 = tpu.memref_slice %arg7[%dma_wait3A_50, %dma_wait3A_51] : memref<40x128xi32, #tpu.memory_space<vmem>> -> memref<1x128xi32, #tpu.memory_space<vmem>>
    %dma_wait3A_53 = tpu.memref_squeeze %dma_wait3A_52 : memref<1x128xi32, #tpu.memory_space<vmem>> -> memref<128xi32, #tpu.memory_space<vmem>>
    %dma_wait3A_54 = arith.constant 0 : i32
    %dma_wait3A_55 = arith.constant 0 : i32
    %dma_wait3A_56 = tpu.memref_slice %arg2[%dma_wait3A_54, %dma_wait3A_55] : memref<10240x128xf32, #tpu.memory_space<hbm>> -> memref<10240x128xf32, #tpu.memory_space<hbm>>
    tpu.wait_indirect_dma semaphore(%arg12 : memref<!tpu.dma_semaphore, #tpu.memory_space<semaphore_mem>>) src(%dma_wait3A_56 : memref<10240x128xf32, #tpu.memory_space<hbm>>) dst(%arg10 : memref<128x128xf32, #tpu.memory_space<vmem>>)
    %run_scoped3A_57 = arith.constant 39 : i32
    "tpu.region"() ({
      %run_scoped3A_122 = tpu.sem_alloc : memref<!tpu.dma_semaphore, #tpu.memory_space<semaphore_mem>>
      %dma_start3A_123 = arith.constant 0 : i32
      %dma_start3A_124 = tpu.memref_slice %arg8[%run_scoped3A_57, %dma_start3A_123] : memref<40x128xi32, #tpu.memory_space<vmem>> -> memref<1x128xi32, #tpu.memory_space<vmem>>
      %dma_start3A_125 = tpu.memref_squeeze %dma_start3A_124 : memref<1x128xi32, #tpu.memory_space<vmem>> -> memref<128xi32, #tpu.memory_space<vmem>>
      %dma_start3A_126 = arith.constant 0 : i32
      %dma_start3A_127 = arith.constant 0 : i32
      %dma_start3A_128 = tpu.memref_slice %arg11[%dma_start3A_126, %dma_start3A_127] : memref<10240x128xf32, #tpu.memory_space<vmem_shared>> -> memref<10240x128xf32, #tpu.memory_space<vmem_shared>>
      tpu.enqueue_indirect_dma source(%arg10 : memref<128x128xf32, #tpu.memory_space<vmem>>) target(%dma_start3A_128 : memref<10240x128xf32, #tpu.memory_space<vmem_shared>>) offsets(%dma_start3A_125 : memref<128xi32, #tpu.memory_space<vmem>>) semaphore(%run_scoped3A_122 : memref<!tpu.dma_semaphore, #tpu.memory_space<semaphore_mem>>) {add = true}
      %dma_wait3A_129 = arith.constant 0 : i32
      %dma_wait3A_130 = tpu.memref_slice %arg8[%run_scoped3A_57, %dma_wait3A_129] : memref<40x128xi32, #tpu.memory_space<vmem>> -> memref<1x128xi32, #tpu.memory_space<vmem>>
      %dma_wait3A_131 = tpu.memref_squeeze %dma_wait3A_130 : memref<1x128xi32, #tpu.memory_space<vmem>> -> memref<128xi32, #tpu.memory_space<vmem>>
      %dma_wait3A_132 = arith.constant 0 : i32
      %dma_wait3A_133 = arith.constant 0 : i32
      %dma_wait3A_134 = tpu.memref_slice %arg11[%dma_wait3A_132, %dma_wait3A_133] : memref<10240x128xf32, #tpu.memory_space<vmem_shared>> -> memref<10240x128xf32, #tpu.memory_space<vmem_shared>>
      tpu.wait_indirect_dma semaphore(%run_scoped3A_122 : memref<!tpu.dma_semaphore, #tpu.memory_space<semaphore_mem>>) src(%arg10 : memref<128x128xf32, #tpu.memory_space<vmem>>) dst(%dma_wait3A_134 : memref<10240x128xf32, #tpu.memory_space<vmem_shared>>)
      tpu.yield
    }) : () -> ()
    %mul3A_58 = arith.constant 80 : i32
    %mul3A_59 = arith.muli %add3A, %mul3A_58 : i32
    %add3A_60 = arith.constant 40 : i32
    %add3A_61 = arith.addi %mul3A_59, %add3A_60 : i32
    %dma_start3A_62 = arith.constant 0 : i32
    %dma_start3A_63 = tpu.memref_slice %arg3[%add3A_61, %dma_start3A_62] : memref<2560x128xi32, #tpu.memory_space<hbm>> -> memref<40x128xi32, #tpu.memory_space<hbm>>
    %dma_start3A_64 = arith.constant 0 : i32
    %dma_start3A_65 = tpu.memref_slice %arg3[%add3A_61, %dma_start3A_64] : memref<2560x128xi32, #tpu.memory_space<hbm>> -> memref<40x128xi32, #tpu.memory_space<hbm>>
    tpu.enqueue_dma source(%dma_start3A_65 : memref<40x128xi32, #tpu.memory_space<hbm>>) target(%arg7 : memref<40x128xi32, #tpu.memory_space<vmem>>) target_semaphore(%arg12 : memref<!tpu.dma_semaphore, #tpu.memory_space<semaphore_mem>>)
    %mul3A_66 = arith.constant 80 : i32
    %mul3A_67 = arith.muli %add3A, %mul3A_66 : i32
    %add3A_68 = arith.constant 40 : i32
    %add3A_69 = arith.addi %mul3A_67, %add3A_68 : i32
    %dma_start3A_70 = arith.constant 0 : i32
    %dma_start3A_71 = tpu.memref_slice %arg4[%add3A_69, %dma_start3A_70] : memref<2560x128xi32, #tpu.memory_space<hbm>> -> memref<40x128xi32, #tpu.memory_space<hbm>>
    %dma_start3A_72 = arith.constant 0 : i32
    %dma_start3A_73 = tpu.memref_slice %arg4[%add3A_69, %dma_start3A_72] : memref<2560x128xi32, #tpu.memory_space<hbm>> -> memref<40x128xi32, #tpu.memory_space<hbm>>
    tpu.enqueue_dma source(%dma_start3A_73 : memref<40x128xi32, #tpu.memory_space<hbm>>) target(%arg8 : memref<40x128xi32, #tpu.memory_space<vmem>>) target_semaphore(%arg12 : memref<!tpu.dma_semaphore, #tpu.memory_space<semaphore_mem>>)
    %dma_wait3A_74 = arith.constant 0 : i32
    %dma_wait3A_75 = tpu.memref_slice %arg3[%add3A_61, %dma_wait3A_74] : memref<2560x128xi32, #tpu.memory_space<hbm>> -> memref<40x128xi32, #tpu.memory_space<hbm>>
    %dma_wait3A_76 = arith.constant 0 : i32
    %dma_wait3A_77 = tpu.memref_slice %arg3[%add3A_61, %dma_wait3A_76] : memref<2560x128xi32, #tpu.memory_space<hbm>> -> memref<40x128xi32, #tpu.memory_space<hbm>>
    tpu.wait_dma2 semaphore(%arg12 : memref<!tpu.dma_semaphore, #tpu.memory_space<semaphore_mem>>) src(%dma_wait3A_77 : memref<40x128xi32, #tpu.memory_space<hbm>>) dst(%arg7 : memref<40x128xi32, #tpu.memory_space<vmem>>)
    %dma_wait3A_78 = arith.constant 0 : i32
    %dma_wait3A_79 = tpu.memref_slice %arg4[%add3A_69, %dma_wait3A_78] : memref<2560x128xi32, #tpu.memory_space<hbm>> -> memref<40x128xi32, #tpu.memory_space<hbm>>
    %dma_wait3A_80 = arith.constant 0 : i32
    %dma_wait3A_81 = tpu.memref_slice %arg4[%add3A_69, %dma_wait3A_80] : memref<2560x128xi32, #tpu.memory_space<hbm>> -> memref<40x128xi32, #tpu.memory_space<hbm>>
    tpu.wait_dma2 semaphore(%arg12 : memref<!tpu.dma_semaphore, #tpu.memory_space<semaphore_mem>>) src(%dma_wait3A_81 : memref<40x128xi32, #tpu.memory_space<hbm>>) dst(%arg8 : memref<40x128xi32, #tpu.memory_space<vmem>>)
    %dma_start3A_82 = arith.constant 0 : i32
    %dma_start3A_83 = arith.constant 0 : i32
    %dma_start3A_84 = tpu.memref_slice %arg7[%dma_start3A_82, %dma_start3A_83] : memref<40x128xi32, #tpu.memory_space<vmem>> -> memref<1x128xi32, #tpu.memory_space<vmem>>
    %dma_start3A_85 = tpu.memref_squeeze %dma_start3A_84 : memref<1x128xi32, #tpu.memory_space<vmem>> -> memref<128xi32, #tpu.memory_space<vmem>>
    %dma_start3A_86 = arith.constant 0 : i32
    %dma_start3A_87 = arith.constant 0 : i32
    %dma_start3A_88 = tpu.memref_slice %arg2[%dma_start3A_86, %dma_start3A_87] : memref<10240x128xf32, #tpu.memory_space<hbm>> -> memref<10240x128xf32, #tpu.memory_space<hbm>>
    tpu.enqueue_indirect_dma source(%dma_start3A_88 : memref<10240x128xf32, #tpu.memory_space<hbm>>) target(%arg9 : memref<128x128xf32, #tpu.memory_space<vmem>>) offsets(%dma_start3A_85 : memref<128xi32, #tpu.memory_space<vmem>>) semaphore(%arg12 : memref<!tpu.dma_semaphore, #tpu.memory_space<semaphore_mem>>)
    %scan3A_89 = arith.constant 0 : i32
    %scan3A_90 = arith.constant 19 : i32
    %scan3A_91 = arith.addi %scan3A_89, %scan3A_90 : i32
    %scan3A_92 = arith.constant 1 : i32
    scf.for %scan3A_122 = %scan3A_89 to %scan3A_91 step %scan3A_92  : i32 {
      %mul3A_123 = arith.constant 2 : i32
      %mul3A_124 = arith.muli %scan3A_122, %mul3A_123 : i32
      %add3A_125 = arith.constant 0 : i32
      %add3A_126 = arith.addi %add3A_125, %mul3A_124 : i32
      %dma_wait3A_127 = arith.constant 0 : i32
      %dma_wait3A_128 = tpu.memref_slice %arg7[%add3A_126, %dma_wait3A_127] : memref<40x128xi32, #tpu.memory_space<vmem>> -> memref<1x128xi32, #tpu.memory_space<vmem>>
      %dma_wait3A_129 = tpu.memref_squeeze %dma_wait3A_128 : memref<1x128xi32, #tpu.memory_space<vmem>> -> memref<128xi32, #tpu.memory_space<vmem>>
      %dma_wait3A_130 = arith.constant 0 : i32
      %dma_wait3A_131 = arith.constant 0 : i32
      %dma_wait3A_132 = tpu.memref_slice %arg2[%dma_wait3A_130, %dma_wait3A_131] : memref<10240x128xf32, #tpu.memory_space<hbm>> -> memref<10240x128xf32, #tpu.memory_space<hbm>>
      tpu.wait_indirect_dma semaphore(%arg12 : memref<!tpu.dma_semaphore, #tpu.memory_space<semaphore_mem>>) src(%dma_wait3A_132 : memref<10240x128xf32, #tpu.memory_space<hbm>>) dst(%arg9 : memref<128x128xf32, #tpu.memory_space<vmem>>)
      %add3A_133 = arith.constant 1 : i32
      %add3A_134 = arith.addi %add3A_126, %add3A_133 : i32
      %dma_start3A_135 = arith.constant 0 : i32
      %dma_start3A_136 = tpu.memref_slice %arg7[%add3A_134, %dma_start3A_135] : memref<40x128xi32, #tpu.memory_space<vmem>> -> memref<1x128xi32, #tpu.memory_space<vmem>>
      %dma_start3A_137 = tpu.memref_squeeze %dma_start3A_136 : memref<1x128xi32, #tpu.memory_space<vmem>> -> memref<128xi32, #tpu.memory_space<vmem>>
      %dma_start3A_138 = arith.constant 0 : i32
      %dma_start3A_139 = arith.constant 0 : i32
      %dma_start3A_140 = tpu.memref_slice %arg2[%dma_start3A_138, %dma_start3A_139] : memref<10240x128xf32, #tpu.memory_space<hbm>> -> memref<10240x128xf32, #tpu.memory_space<hbm>>
      tpu.enqueue_indirect_dma source(%dma_start3A_140 : memref<10240x128xf32, #tpu.memory_space<hbm>>) target(%arg10 : memref<128x128xf32, #tpu.memory_space<vmem>>) offsets(%dma_start3A_137 : memref<128xi32, #tpu.memory_space<vmem>>) semaphore(%arg12 : memref<!tpu.dma_semaphore, #tpu.memory_space<semaphore_mem>>)
      "tpu.region"() ({
        %run_scoped3A_159 = tpu.sem_alloc : memref<!tpu.dma_semaphore, #tpu.memory_space<semaphore_mem>>
        %dma_start3A_160 = arith.constant 0 : i32
        %dma_start3A_161 = tpu.memref_slice %arg8[%add3A_126, %dma_start3A_160] : memref<40x128xi32, #tpu.memory_space<vmem>> -> memref<1x128xi32, #tpu.memory_space<vmem>>
        %dma_start3A_162 = tpu.memref_squeeze %dma_start3A_161 : memref<1x128xi32, #tpu.memory_space<vmem>> -> memref<128xi32, #tpu.memory_space<vmem>>
        %dma_start3A_163 = arith.constant 0 : i32
        %dma_start3A_164 = arith.constant 0 : i32
        %dma_start3A_165 = tpu.memref_slice %arg11[%dma_start3A_163, %dma_start3A_164] : memref<10240x128xf32, #tpu.memory_space<vmem_shared>> -> memref<10240x128xf32, #tpu.memory_space<vmem_shared>>
        tpu.enqueue_indirect_dma source(%arg9 : memref<128x128xf32, #tpu.memory_space<vmem>>) target(%dma_start3A_165 : memref<10240x128xf32, #tpu.memory_space<vmem_shared>>) offsets(%dma_start3A_162 : memref<128xi32, #tpu.memory_space<vmem>>) semaphore(%run_scoped3A_159 : memref<!tpu.dma_semaphore, #tpu.memory_space<semaphore_mem>>) {add = true}
        %dma_wait3A_166 = arith.constant 0 : i32
        %dma_wait3A_167 = tpu.memref_slice %arg8[%add3A_126, %dma_wait3A_166] : memref<40x128xi32, #tpu.memory_space<vmem>> -> memref<1x128xi32, #tpu.memory_space<vmem>>
        %dma_wait3A_168 = tpu.memref_squeeze %dma_wait3A_167 : memref<1x128xi32, #tpu.memory_space<vmem>> -> memref<128xi32, #tpu.memory_space<vmem>>
        %dma_wait3A_169 = arith.constant 0 : i32
        %dma_wait3A_170 = arith.constant 0 : i32
        %dma_wait3A_171 = tpu.memref_slice %arg11[%dma_wait3A_169, %dma_wait3A_170] : memref<10240x128xf32, #tpu.memory_space<vmem_shared>> -> memref<10240x128xf32, #tpu.memory_space<vmem_shared>>
        tpu.wait_indirect_dma semaphore(%run_scoped3A_159 : memref<!tpu.dma_semaphore, #tpu.memory_space<semaphore_mem>>) src(%arg9 : memref<128x128xf32, #tpu.memory_space<vmem>>) dst(%dma_wait3A_171 : memref<10240x128xf32, #tpu.memory_space<vmem_shared>>)
        tpu.yield
      }) : () -> ()
      %add3A_141 = arith.constant 1 : i32
      %add3A_142 = arith.addi %add3A_126, %add3A_141 : i32
      %dma_wait3A_143 = arith.constant 0 : i32
      %dma_wait3A_144 = tpu.memref_slice %arg7[%add3A_142, %dma_wait3A_143] : memref<40x128xi32, #tpu.memory_space<vmem>> -> memref<1x128xi32, #tpu.memory_space<vmem>>
      %dma_wait3A_145 = tpu.memref_squeeze %dma_wait3A_144 : memref<1x128xi32, #tpu.memory_space<vmem>> -> memref<128xi32, #tpu.memory_space<vmem>>
      %dma_wait3A_146 = arith.constant 0 : i32
      %dma_wait3A_147 = arith.constant 0 : i32
      %dma_wait3A_148 = tpu.memref_slice %arg2[%dma_wait3A_146, %dma_wait3A_147] : memref<10240x128xf32, #tpu.memory_space<hbm>> -> memref<10240x128xf32, #tpu.memory_space<hbm>>
      tpu.wait_indirect_dma semaphore(%arg12 : memref<!tpu.dma_semaphore, #tpu.memory_space<semaphore_mem>>) src(%dma_wait3A_148 : memref<10240x128xf32, #tpu.memory_space<hbm>>) dst(%arg10 : memref<128x128xf32, #tpu.memory_space<vmem>>)
      %add3A_149 = arith.constant 2 : i32
      %add3A_150 = arith.addi %add3A_126, %add3A_149 : i32
      %dma_start3A_151 = arith.constant 0 : i32
      %dma_start3A_152 = tpu.memref_slice %arg7[%add3A_150, %dma_start3A_151] : memref<40x128xi32, #tpu.memory_space<vmem>> -> memref<1x128xi32, #tpu.memory_space<vmem>>
      %dma_start3A_153 = tpu.memref_squeeze %dma_start3A_152 : memref<1x128xi32, #tpu.memory_space<vmem>> -> memref<128xi32, #tpu.memory_space<vmem>>
      %dma_start3A_154 = arith.constant 0 : i32
      %dma_start3A_155 = arith.constant 0 : i32
      %dma_start3A_156 = tpu.memref_slice %arg2[%dma_start3A_154, %dma_start3A_155] : memref<10240x128xf32, #tpu.memory_space<hbm>> -> memref<10240x128xf32, #tpu.memory_space<hbm>>
      tpu.enqueue_indirect_dma source(%dma_start3A_156 : memref<10240x128xf32, #tpu.memory_space<hbm>>) target(%arg9 : memref<128x128xf32, #tpu.memory_space<vmem>>) offsets(%dma_start3A_153 : memref<128xi32, #tpu.memory_space<vmem>>) semaphore(%arg12 : memref<!tpu.dma_semaphore, #tpu.memory_space<semaphore_mem>>)
      %add3A_157 = arith.constant 1 : i32
      %add3A_158 = arith.addi %add3A_126, %add3A_157 : i32
      "tpu.region"() ({
        %run_scoped3A_159 = tpu.sem_alloc : memref<!tpu.dma_semaphore, #tpu.memory_space<semaphore_mem>>
        %dma_start3A_160 = arith.constant 0 : i32
        %dma_start3A_161 = tpu.memref_slice %arg8[%add3A_158, %dma_start3A_160] : memref<40x128xi32, #tpu.memory_space<vmem>> -> memref<1x128xi32, #tpu.memory_space<vmem>>
        %dma_start3A_162 = tpu.memref_squeeze %dma_start3A_161 : memref<1x128xi32, #tpu.memory_space<vmem>> -> memref<128xi32, #tpu.memory_space<vmem>>
        %dma_start3A_163 = arith.constant 0 : i32
        %dma_start3A_164 = arith.constant 0 : i32
        %dma_start3A_165 = tpu.memref_slice %arg11[%dma_start3A_163, %dma_start3A_164] : memref<10240x128xf32, #tpu.memory_space<vmem_shared>> -> memref<10240x128xf32, #tpu.memory_space<vmem_shared>>
        tpu.enqueue_indirect_dma source(%arg10 : memref<128x128xf32, #tpu.memory_space<vmem>>) target(%dma_start3A_165 : memref<10240x128xf32, #tpu.memory_space<vmem_shared>>) offsets(%dma_start3A_162 : memref<128xi32, #tpu.memory_space<vmem>>) semaphore(%run_scoped3A_159 : memref<!tpu.dma_semaphore, #tpu.memory_space<semaphore_mem>>) {add = true}
        %dma_wait3A_166 = arith.constant 0 : i32
        %dma_wait3A_167 = tpu.memref_slice %arg8[%add3A_158, %dma_wait3A_166] : memref<40x128xi32, #tpu.memory_space<vmem>> -> memref<1x128xi32, #tpu.memory_space<vmem>>
        %dma_wait3A_168 = tpu.memref_squeeze %dma_wait3A_167 : memref<1x128xi32, #tpu.memory_space<vmem>> -> memref<128xi32, #tpu.memory_space<vmem>>
        %dma_wait3A_169 = arith.constant 0 : i32
        %dma_wait3A_170 = arith.constant 0 : i32
        %dma_wait3A_171 = tpu.memref_slice %arg11[%dma_wait3A_169, %dma_wait3A_170] : memref<10240x128xf32, #tpu.memory_space<vmem_shared>> -> memref<10240x128xf32, #tpu.memory_space<vmem_shared>>
        tpu.wait_indirect_dma semaphore(%run_scoped3A_159 : memref<!tpu.dma_semaphore, #tpu.memory_space<semaphore_mem>>) src(%arg10 : memref<128x128xf32, #tpu.memory_space<vmem>>) dst(%dma_wait3A_171 : memref<10240x128xf32, #tpu.memory_space<vmem_shared>>)
        tpu.yield
      }) : () -> ()
    }
    %scan3A_93 = arith.constant 19 : i32
    %dma_wait3A_94 = arith.constant 38 : i32
    %dma_wait3A_95 = arith.constant 0 : i32
    %dma_wait3A_96 = tpu.memref_slice %arg7[%dma_wait3A_94, %dma_wait3A_95] : memref<40x128xi32, #tpu.memory_space<vmem>> -> memref<1x128xi32, #tpu.memory_space<vmem>>
    %dma_wait3A_97 = tpu.memref_squeeze %dma_wait3A_96 : memref<1x128xi32, #tpu.memory_space<vmem>> -> memref<128xi32, #tpu.memory_space<vmem>>
    %dma_wait3A_98 = arith.constant 0 : i32
    %dma_wait3A_99 = arith.constant 0 : i32
    %dma_wait3A_100 = tpu.memref_slice %arg2[%dma_wait3A_98, %dma_wait3A_99] : memref<10240x128xf32, #tpu.memory_space<hbm>> -> memref<10240x128xf32, #tpu.memory_space<hbm>>
    tpu.wait_indirect_dma semaphore(%arg12 : memref<!tpu.dma_semaphore, #tpu.memory_space<semaphore_mem>>) src(%dma_wait3A_100 : memref<10240x128xf32, #tpu.memory_space<hbm>>) dst(%arg9 : memref<128x128xf32, #tpu.memory_space<vmem>>)
    %dma_start3A_101 = arith.constant 39 : i32
    %dma_start3A_102 = arith.constant 0 : i32
    %dma_start3A_103 = tpu.memref_slice %arg7[%dma_start3A_101, %dma_start3A_102] : memref<40x128xi32, #tpu.memory_space<vmem>> -> memref<1x128xi32, #tpu.memory_space<vmem>>
    %dma_start3A_104 = tpu.memref_squeeze %dma_start3A_103 : memref<1x128xi32, #tpu.memory_space<vmem>> -> memref<128xi32, #tpu.memory_space<vmem>>
    %dma_start3A_105 = arith.constant 0 : i32
    %dma_start3A_106 = arith.constant 0 : i32
    %dma_start3A_107 = tpu.memref_slice %arg2[%dma_start3A_105, %dma_start3A_106] : memref<10240x128xf32, #tpu.memory_space<hbm>> -> memref<10240x128xf32, #tpu.memory_space<hbm>>
    tpu.enqueue_indirect_dma source(%dma_start3A_107 : memref<10240x128xf32, #tpu.memory_space<hbm>>) target(%arg10 : memref<128x128xf32, #tpu.memory_space<vmem>>) offsets(%dma_start3A_104 : memref<128xi32, #tpu.memory_space<vmem>>) semaphore(%arg12 : memref<!tpu.dma_semaphore, #tpu.memory_space<semaphore_mem>>)
    %run_scoped3A_108 = arith.constant 38 : i32
    "tpu.region"() ({
      %run_scoped3A_122 = tpu.sem_alloc : memref<!tpu.dma_semaphore, #tpu.memory_space<semaphore_mem>>
      %dma_start3A_123 = arith.constant 0 : i32
      %dma_start3A_124 = tpu.memref_slice %arg8[%run_scoped3A_108, %dma_start3A_123] : memref<40x128xi32, #tpu.memory_space<vmem>> -> memref<1x128xi32, #tpu.memory_space<vmem>>
      %dma_start3A_125 = tpu.memref_squeeze %dma_start3A_124 : memref<1x128xi32, #tpu.memory_space<vmem>> -> memref<128xi32, #tpu.memory_space<vmem>>
      %dma_start3A_126 = arith.constant 0 : i32
      %dma_start3A_127 = arith.constant 0 : i32
      %dma_start3A_128 = tpu.memref_slice %arg11[%dma_start3A_126, %dma_start3A_127] : memref<10240x128xf32, #tpu.memory_space<vmem_shared>> -> memref<10240x128xf32, #tpu.memory_space<vmem_shared>>
      tpu.enqueue_indirect_dma source(%arg9 : memref<128x128xf32, #tpu.memory_space<vmem>>) target(%dma_start3A_128 : memref<10240x128xf32, #tpu.memory_space<vmem_shared>>) offsets(%dma_start3A_125 : memref<128xi32, #tpu.memory_space<vmem>>) semaphore(%run_scoped3A_122 : memref<!tpu.dma_semaphore, #tpu.memory_space<semaphore_mem>>) {add = true}
      %dma_wait3A_129 = arith.constant 0 : i32
      %dma_wait3A_130 = tpu.memref_slice %arg8[%run_scoped3A_108, %dma_wait3A_129] : memref<40x128xi32, #tpu.memory_space<vmem>> -> memref<1x128xi32, #tpu.memory_space<vmem>>
      %dma_wait3A_131 = tpu.memref_squeeze %dma_wait3A_130 : memref<1x128xi32, #tpu.memory_space<vmem>> -> memref<128xi32, #tpu.memory_space<vmem>>
      %dma_wait3A_132 = arith.constant 0 : i32
      %dma_wait3A_133 = arith.constant 0 : i32
      %dma_wait3A_134 = tpu.memref_slice %arg11[%dma_wait3A_132, %dma_wait3A_133] : memref<10240x128xf32, #tpu.memory_space<vmem_shared>> -> memref<10240x128xf32, #tpu.memory_space<vmem_shared>>
      tpu.wait_indirect_dma semaphore(%run_scoped3A_122 : memref<!tpu.dma_semaphore, #tpu.memory_space<semaphore_mem>>) src(%arg9 : memref<128x128xf32, #tpu.memory_space<vmem>>) dst(%dma_wait3A_134 : memref<10240x128xf32, #tpu.memory_space<vmem_shared>>)
      tpu.yield
    }) : () -> ()
    %dma_wait3A_109 = arith.constant 39 : i32
    %dma_wait3A_110 = arith.constant 0 : i32
    %dma_wait3A_111 = tpu.memref_slice %arg7[%dma_wait3A_109, %dma_wait3A_110] : memref<40x128xi32, #tpu.memory_space<vmem>> -> memref<1x128xi32, #tpu.memory_space<vmem>>
    %dma_wait3A_112 = tpu.memref_squeeze %dma_wait3A_111 : memref<1x128xi32, #tpu.memory_space<vmem>> -> memref<128xi32, #tpu.memory_space<vmem>>
    %dma_wait3A_113 = arith.constant 0 : i32
    %dma_wait3A_114 = arith.constant 0 : i32
    %dma_wait3A_115 = tpu.memref_slice %arg2[%dma_wait3A_113, %dma_wait3A_114] : memref<10240x128xf32, #tpu.memory_space<hbm>> -> memref<10240x128xf32, #tpu.memory_space<hbm>>
    tpu.wait_indirect_dma semaphore(%arg12 : memref<!tpu.dma_semaphore, #tpu.memory_space<semaphore_mem>>) src(%dma_wait3A_115 : memref<10240x128xf32, #tpu.memory_space<hbm>>) dst(%arg10 : memref<128x128xf32, #tpu.memory_space<vmem>>)
    %run_scoped3A_116 = arith.constant 39 : i32
    "tpu.region"() ({
      %run_scoped3A_122 = tpu.sem_alloc : memref<!tpu.dma_semaphore, #tpu.memory_space<semaphore_mem>>
      %dma_start3A_123 = arith.constant 0 : i32
      %dma_start3A_124 = tpu.memref_slice %arg8[%run_scoped3A_116, %dma_start3A_123] : memref<40x128xi32, #tpu.memory_space<vmem>> -> memref<1x128xi32, #tpu.memory_space<vmem>>
      %dma_start3A_125 = tpu.memref_squeeze %dma_start3A_124 : memref<1x128xi32, #tpu.memory_space<vmem>> -> memref<128xi32, #tpu.memory_space<vmem>>
      %dma_start3A_126 = arith.constant 0 : i32
      %dma_start3A_127 = arith.constant 0 : i32
      %dma_start3A_128 = tpu.memref_slice %arg11[%dma_start3A_126, %dma_start3A_127] : memref<10240x128xf32, #tpu.memory_space<vmem_shared>> -> memref<10240x128xf32, #tpu.memory_space<vmem_shared>>
      tpu.enqueue_indirect_dma source(%arg10 : memref<128x128xf32, #tpu.memory_space<vmem>>) target(%dma_start3A_128 : memref<10240x128xf32, #tpu.memory_space<vmem_shared>>) offsets(%dma_start3A_125 : memref<128xi32, #tpu.memory_space<vmem>>) semaphore(%run_scoped3A_122 : memref<!tpu.dma_semaphore, #tpu.memory_space<semaphore_mem>>) {add = true}
      %dma_wait3A_129 = arith.constant 0 : i32
      %dma_wait3A_130 = tpu.memref_slice %arg8[%run_scoped3A_116, %dma_wait3A_129] : memref<40x128xi32, #tpu.memory_space<vmem>> -> memref<1x128xi32, #tpu.memory_space<vmem>>
      %dma_wait3A_131 = tpu.memref_squeeze %dma_wait3A_130 : memref<1x128xi32, #tpu.memory_space<vmem>> -> memref<128xi32, #tpu.memory_space<vmem>>
      %dma_wait3A_132 = arith.constant 0 : i32
      %dma_wait3A_133 = arith.constant 0 : i32
      %dma_wait3A_134 = tpu.memref_slice %arg11[%dma_wait3A_132, %dma_wait3A_133] : memref<10240x128xf32, #tpu.memory_space<vmem_shared>> -> memref<10240x128xf32, #tpu.memory_space<vmem_shared>>
      tpu.wait_indirect_dma semaphore(%run_scoped3A_122 : memref<!tpu.dma_semaphore, #tpu.memory_space<semaphore_mem>>) src(%arg10 : memref<128x128xf32, #tpu.memory_space<vmem>>) dst(%dma_wait3A_134 : memref<10240x128xf32, #tpu.memory_space<vmem_shared>>)
      tpu.yield
    }) : () -> ()
    %barrier3A_117 = arith.constant 0 : index
    tpu.barrier barrier_id(%barrier3A_117)
    %mul3A_118 = arith.constant 640 : i32
    %mul3A_119 = arith.muli %arg1, %mul3A_118 : i32
    %mul3A_120 = arith.constant 640 : i32
    %mul3A_121 = arith.muli %arg1, %mul3A_120 : i32
    "tpu.region"() ({
      %run_scoped3A_122 = tpu.sem_alloc : memref<!tpu.dma_semaphore, #tpu.memory_space<semaphore_mem>>
      %dma_start3A_123 = arith.constant 0 : i32
      %dma_start3A_124 = tpu.memref_slice %arg6[%arg0, %mul3A_121, %dma_start3A_123] : memref<2x10240x128xf32, #tpu.memory_space<hbm>> -> memref<1x640x128xf32, #tpu.memory_space<hbm>>
      %dma_start3A_125 = tpu.memref_squeeze %dma_start3A_124 : memref<1x640x128xf32, #tpu.memory_space<hbm>> -> memref<640x128xf32, #tpu.memory_space<hbm>>
      %dma_start3A_126 = arith.constant 0 : i32
      %dma_start3A_127 = tpu.memref_slice %arg11[%mul3A_119, %dma_start3A_126] : memref<10240x128xf32, #tpu.memory_space<vmem_shared>> -> memref<640x128xf32, #tpu.memory_space<vmem_shared>>
      tpu.enqueue_dma source(%dma_start3A_127 : memref<640x128xf32, #tpu.memory_space<vmem_shared>>) target(%dma_start3A_125 : memref<640x128xf32, #tpu.memory_space<hbm>>) target_semaphore(%run_scoped3A_122 : memref<!tpu.dma_semaphore, #tpu.memory_space<semaphore_mem>>)
      %dma_wait3A_128 = arith.constant 0 : i32
      %dma_wait3A_129 = tpu.memref_slice %arg6[%arg0, %mul3A_121, %dma_wait3A_128] : memref<2x10240x128xf32, #tpu.memory_space<hbm>> -> memref<1x640x128xf32, #tpu.memory_space<hbm>>
      %dma_wait3A_130 = tpu.memref_squeeze %dma_wait3A_129 : memref<1x640x128xf32, #tpu.memory_space<hbm>> -> memref<640x128xf32, #tpu.memory_space<hbm>>
      %dma_wait3A_131 = arith.constant 0 : i32
      %dma_wait3A_132 = tpu.memref_slice %arg11[%mul3A_119, %dma_wait3A_131] : memref<10240x128xf32, #tpu.memory_space<vmem_shared>> -> memref<640x128xf32, #tpu.memory_space<vmem_shared>>
      tpu.wait_dma2 semaphore(%run_scoped3A_122 : memref<!tpu.dma_semaphore, #tpu.memory_space<semaphore_mem>>) src(%dma_wait3A_132 : memref<640x128xf32, #tpu.memory_space<vmem_shared>>) dst(%dma_wait3A_130 : memref<640x128xf32, #tpu.memory_space<hbm>>)
      tpu.yield
    }) : () -> ()
    return
  }
}

#map = affine_map<(d0, d1) -> (0, 0)>
#map1 = affine_map<(d0, d1) -> (0, 0, 0)>
module attributes {stable_mosaic.version = 14 : i64} {
  func.func @_agg_kernel(%arg0: i32, %arg1: i32, %arg2: memref<10240x128xf32, #tpu.memory_space<hbm>>, %arg3: memref<2560x128xi32, #tpu.memory_space<hbm>>, %arg4: memref<2560x128xi32, #tpu.memory_space<hbm>>, %arg5: memref<640x128xf32, #tpu.memory_space<hbm>>, %arg6: memref<2x10240x128xf32, #tpu.memory_space<hbm>>, %arg7: memref<40x128xi32, #tpu.memory_space<vmem>>, %arg8: memref<40x128xi32, #tpu.memory_space<vmem>>, %arg9: memref<128x128xf32, #tpu.memory_space<vmem>>, %arg10: memref<128x128xf32, #tpu.memory_space<vmem>>, %arg11: memref<10240x128xf32, #tpu.memory_space<vmem_shared>>, %arg12: memref<!tpu.dma_semaphore, #tpu.memory_space<semaphore_mem>>, %arg13: memref<!tpu.dma_semaphore, #tpu.memory_space<semaphore_mem>>) attributes {dimension_semantics = [#tpu.dimension_semantics<core_parallel>, #tpu.dimension_semantics<subcore_parallel>], iteration_bounds = array<i64: 2, 16>, scalar_prefetch = 0 : i64, scratch_operands = 7 : i64, tpu.core_type = #tpu.core_type<sc_vector_subcore>, window_params = [{transform_indices = #map}, {transform_indices = #map}, {transform_indices = #map}, {transform_indices = #map}, {transform_indices = #map1}]} {
    %mul3A = arith.constant 16 : i32
    %mul3A_0 = arith.muli %arg0, %mul3A : i32
    %add3A = arith.addi %mul3A_0, %arg1 : i32
    %mul3A_1 = arith.constant 640 : i32
    %mul3A_2 = arith.muli %arg1, %mul3A_1 : i32
    "tpu.region"() ({
      %run_scoped3A_122 = tpu.sem_alloc : memref<!tpu.dma_semaphore, #tpu.memory_space<semaphore_mem>>
      %dma_start3A_123 = arith.constant 0 : i32
      %dma_start3A_124 = tpu.memref_slice %arg11[%mul3A_2, %dma_start3A_123] : memref<10240x128xf32, #tpu.memory_space<vmem_shared>> -> memref<640x128xf32, #tpu.memory_space<vmem_shared>>
      tpu.enqueue_dma source(%arg5 : memref<640x128xf32, #tpu.memory_space<hbm>>) target(%dma_start3A_124 : memref<640x128xf32, #tpu.memory_space<vmem_shared>>) target_semaphore(%run_scoped3A_122 : memref<!tpu.dma_semaphore, #tpu.memory_space<semaphore_mem>>)
      %dma_wait3A_125 = arith.constant 0 : i32
      %dma_wait3A_126 = tpu.memref_slice %arg11[%mul3A_2, %dma_wait3A_125] : memref<10240x128xf32, #tpu.memory_space<vmem_shared>> -> memref<640x128xf32, #tpu.memory_space<vmem_shared>>
      tpu.wait_dma2 semaphore(%run_scoped3A_122 : memref<!tpu.dma_semaphore, #tpu.memory_space<semaphore_mem>>) src(%arg5 : memref<640x128xf32, #tpu.memory_space<hbm>>) dst(%dma_wait3A_126 : memref<640x128xf32, #tpu.memory_space<vmem_shared>>)
      tpu.yield
    }) : () -> ()
    %barrier3A = arith.constant 0 : index
    tpu.barrier barrier_id(%barrier3A)
    %mul3A_3 = arith.constant 80 : i32
    %mul3A_4 = arith.muli %add3A, %mul3A_3 : i32
    %add3A_5 = arith.constant 0 : i32
    %add3A_6 = arith.addi %mul3A_4, %add3A_5 : i32
    %dma_start3A = arith.constant 0 : i32
    %dma_start3A_7 = tpu.memref_slice %arg3[%add3A_6, %dma_start3A] : memref<2560x128xi32, #tpu.memory_space<hbm>> -> memref<40x128xi32, #tpu.memory_space<hbm>>
    %dma_start3A_8 = arith.constant 0 : i32
    %dma_start3A_9 = tpu.memref_slice %arg3[%add3A_6, %dma_start3A_8] : memref<2560x128xi32, #tpu.memory_space<hbm>> -> memref<40x128xi32, #tpu.memory_space<hbm>>
    tpu.enqueue_dma source(%dma_start3A_9 : memref<40x128xi32, #tpu.memory_space<hbm>>) target(%arg7 : memref<40x128xi32, #tpu.memory_space<vmem>>) target_semaphore(%arg12 : memref<!tpu.dma_semaphore, #tpu.memory_space<semaphore_mem>>)
    %mul3A_10 = arith.constant 80 : i32
    %mul3A_11 = arith.muli %add3A, %mul3A_10 : i32
    %add3A_12 = arith.constant 0 : i32
    %add3A_13 = arith.addi %mul3A_11, %add3A_12 : i32
    %dma_start3A_14 = arith.constant 0 : i32
    %dma_start3A_15 = tpu.memref_slice %arg4[%add3A_13, %dma_start3A_14] : memref<2560x128xi32, #tpu.memory_space<hbm>> -> memref<40x128xi32, #tpu.memory_space<hbm>>
    %dma_start3A_16 = arith.constant 0 : i32
    %dma_start3A_17 = tpu.memref_slice %arg4[%add3A_13, %dma_start3A_16] : memref<2560x128xi32, #tpu.memory_space<hbm>> -> memref<40x128xi32, #tpu.memory_space<hbm>>
    tpu.enqueue_dma source(%dma_start3A_17 : memref<40x128xi32, #tpu.memory_space<hbm>>) target(%arg8 : memref<40x128xi32, #tpu.memory_space<vmem>>) target_semaphore(%arg12 : memref<!tpu.dma_semaphore, #tpu.memory_space<semaphore_mem>>)
    %dma_wait3A = arith.constant 0 : i32
    %dma_wait3A_18 = tpu.memref_slice %arg3[%add3A_6, %dma_wait3A] : memref<2560x128xi32, #tpu.memory_space<hbm>> -> memref<40x128xi32, #tpu.memory_space<hbm>>
    %dma_wait3A_19 = arith.constant 0 : i32
    %dma_wait3A_20 = tpu.memref_slice %arg3[%add3A_6, %dma_wait3A_19] : memref<2560x128xi32, #tpu.memory_space<hbm>> -> memref<40x128xi32, #tpu.memory_space<hbm>>
    tpu.wait_dma2 semaphore(%arg12 : memref<!tpu.dma_semaphore, #tpu.memory_space<semaphore_mem>>) src(%dma_wait3A_20 : memref<40x128xi32, #tpu.memory_space<hbm>>) dst(%arg7 : memref<40x128xi32, #tpu.memory_space<vmem>>)
    %dma_wait3A_21 = arith.constant 0 : i32
    %dma_wait3A_22 = tpu.memref_slice %arg4[%add3A_13, %dma_wait3A_21] : memref<2560x128xi32, #tpu.memory_space<hbm>> -> memref<40x128xi32, #tpu.memory_space<hbm>>
    %dma_wait3A_23 = arith.constant 0 : i32
    %dma_wait3A_24 = tpu.memref_slice %arg4[%add3A_13, %dma_wait3A_23] : memref<2560x128xi32, #tpu.memory_space<hbm>> -> memref<40x128xi32, #tpu.memory_space<hbm>>
    tpu.wait_dma2 semaphore(%arg12 : memref<!tpu.dma_semaphore, #tpu.memory_space<semaphore_mem>>) src(%dma_wait3A_24 : memref<40x128xi32, #tpu.memory_space<hbm>>) dst(%arg8 : memref<40x128xi32, #tpu.memory_space<vmem>>)
    %dma_start3A_25 = arith.constant 0 : i32
    %dma_start3A_26 = arith.constant 0 : i32
    %dma_start3A_27 = tpu.memref_slice %arg7[%dma_start3A_25, %dma_start3A_26] : memref<40x128xi32, #tpu.memory_space<vmem>> -> memref<1x128xi32, #tpu.memory_space<vmem>>
    %dma_start3A_28 = tpu.memref_squeeze %dma_start3A_27 : memref<1x128xi32, #tpu.memory_space<vmem>> -> memref<128xi32, #tpu.memory_space<vmem>>
    %dma_start3A_29 = arith.constant 0 : i32
    %dma_start3A_30 = arith.constant 0 : i32
    %dma_start3A_31 = tpu.memref_slice %arg2[%dma_start3A_29, %dma_start3A_30] : memref<10240x128xf32, #tpu.memory_space<hbm>> -> memref<10240x128xf32, #tpu.memory_space<hbm>>
    tpu.enqueue_indirect_dma source(%dma_start3A_31 : memref<10240x128xf32, #tpu.memory_space<hbm>>) target(%arg9 : memref<128x128xf32, #tpu.memory_space<vmem>>) offsets(%dma_start3A_28 : memref<128xi32, #tpu.memory_space<vmem>>) semaphore(%arg12 : memref<!tpu.dma_semaphore, #tpu.memory_space<semaphore_mem>>)
    %scan3A = arith.constant 0 : i32
    %scan3A_32 = arith.constant 19 : i32
    %scan3A_33 = arith.addi %scan3A, %scan3A_32 : i32
    %scan3A_34 = arith.constant 1 : i32
    scf.for %scan3A_122 = %scan3A to %scan3A_33 step %scan3A_34  : i32 {
      %mul3A_123 = arith.constant 2 : i32
      %mul3A_124 = arith.muli %scan3A_122, %mul3A_123 : i32
      %add3A_125 = arith.constant 0 : i32
      %add3A_126 = arith.addi %add3A_125, %mul3A_124 : i32
      %dma_wait3A_127 = arith.constant 0 : i32
      %dma_wait3A_128 = tpu.memref_slice %arg7[%add3A_126, %dma_wait3A_127] : memref<40x128xi32, #tpu.memory_space<vmem>> -> memref<1x128xi32, #tpu.memory_space<vmem>>
      %dma_wait3A_129 = tpu.memref_squeeze %dma_wait3A_128 : memref<1x128xi32, #tpu.memory_space<vmem>> -> memref<128xi32, #tpu.memory_space<vmem>>
      %dma_wait3A_130 = arith.constant 0 : i32
      %dma_wait3A_131 = arith.constant 0 : i32
      %dma_wait3A_132 = tpu.memref_slice %arg2[%dma_wait3A_130, %dma_wait3A_131] : memref<10240x128xf32, #tpu.memory_space<hbm>> -> memref<10240x128xf32, #tpu.memory_space<hbm>>
      tpu.wait_indirect_dma semaphore(%arg12 : memref<!tpu.dma_semaphore, #tpu.memory_space<semaphore_mem>>) src(%dma_wait3A_132 : memref<10240x128xf32, #tpu.memory_space<hbm>>) dst(%arg9 : memref<128x128xf32, #tpu.memory_space<vmem>>)
      %add3A_133 = arith.constant 1 : i32
      %add3A_134 = arith.addi %add3A_126, %add3A_133 : i32
      %dma_start3A_135 = arith.constant 0 : i32
      %dma_start3A_136 = tpu.memref_slice %arg7[%add3A_134, %dma_start3A_135] : memref<40x128xi32, #tpu.memory_space<vmem>> -> memref<1x128xi32, #tpu.memory_space<vmem>>
      %dma_start3A_137 = tpu.memref_squeeze %dma_start3A_136 : memref<1x128xi32, #tpu.memory_space<vmem>> -> memref<128xi32, #tpu.memory_space<vmem>>
      %dma_start3A_138 = arith.constant 0 : i32
      %dma_start3A_139 = arith.constant 0 : i32
      %dma_start3A_140 = tpu.memref_slice %arg2[%dma_start3A_138, %dma_start3A_139] : memref<10240x128xf32, #tpu.memory_space<hbm>> -> memref<10240x128xf32, #tpu.memory_space<hbm>>
      tpu.enqueue_indirect_dma source(%dma_start3A_140 : memref<10240x128xf32, #tpu.memory_space<hbm>>) target(%arg10 : memref<128x128xf32, #tpu.memory_space<vmem>>) offsets(%dma_start3A_137 : memref<128xi32, #tpu.memory_space<vmem>>) semaphore(%arg12 : memref<!tpu.dma_semaphore, #tpu.memory_space<semaphore_mem>>)
      "tpu.region"() ({
        %run_scoped3A_159 = tpu.sem_alloc : memref<!tpu.dma_semaphore, #tpu.memory_space<semaphore_mem>>
        %dma_start3A_160 = arith.constant 0 : i32
        %dma_start3A_161 = tpu.memref_slice %arg8[%add3A_126, %dma_start3A_160] : memref<40x128xi32, #tpu.memory_space<vmem>> -> memref<1x128xi32, #tpu.memory_space<vmem>>
        %dma_start3A_162 = tpu.memref_squeeze %dma_start3A_161 : memref<1x128xi32, #tpu.memory_space<vmem>> -> memref<128xi32, #tpu.memory_space<vmem>>
        %dma_start3A_163 = arith.constant 0 : i32
        %dma_start3A_164 = arith.constant 0 : i32
        %dma_start3A_165 = tpu.memref_slice %arg11[%dma_start3A_163, %dma_start3A_164] : memref<10240x128xf32, #tpu.memory_space<vmem_shared>> -> memref<10240x128xf32, #tpu.memory_space<vmem_shared>>
        tpu.enqueue_indirect_dma source(%arg9 : memref<128x128xf32, #tpu.memory_space<vmem>>) target(%dma_start3A_165 : memref<10240x128xf32, #tpu.memory_space<vmem_shared>>) offsets(%dma_start3A_162 : memref<128xi32, #tpu.memory_space<vmem>>) semaphore(%run_scoped3A_159 : memref<!tpu.dma_semaphore, #tpu.memory_space<semaphore_mem>>) {add = true}
        %dma_wait3A_166 = arith.constant 0 : i32
        %dma_wait3A_167 = tpu.memref_slice %arg8[%add3A_126, %dma_wait3A_166] : memref<40x128xi32, #tpu.memory_space<vmem>> -> memref<1x128xi32, #tpu.memory_space<vmem>>
        %dma_wait3A_168 = tpu.memref_squeeze %dma_wait3A_167 : memref<1x128xi32, #tpu.memory_space<vmem>> -> memref<128xi32, #tpu.memory_space<vmem>>
        %dma_wait3A_169 = arith.constant 0 : i32
        %dma_wait3A_170 = arith.constant 0 : i32
        %dma_wait3A_171 = tpu.memref_slice %arg11[%dma_wait3A_169, %dma_wait3A_170] : memref<10240x128xf32, #tpu.memory_space<vmem_shared>> -> memref<10240x128xf32, #tpu.memory_space<vmem_shared>>
        tpu.wait_indirect_dma semaphore(%run_scoped3A_159 : memref<!tpu.dma_semaphore, #tpu.memory_space<semaphore_mem>>) src(%arg9 : memref<128x128xf32, #tpu.memory_space<vmem>>) dst(%dma_wait3A_171 : memref<10240x128xf32, #tpu.memory_space<vmem_shared>>)
        tpu.yield
      }) : () -> ()
      %add3A_141 = arith.constant 1 : i32
      %add3A_142 = arith.addi %add3A_126, %add3A_141 : i32
      %dma_wait3A_143 = arith.constant 0 : i32
      %dma_wait3A_144 = tpu.memref_slice %arg7[%add3A_142, %dma_wait3A_143] : memref<40x128xi32, #tpu.memory_space<vmem>> -> memref<1x128xi32, #tpu.memory_space<vmem>>
      %dma_wait3A_145 = tpu.memref_squeeze %dma_wait3A_144 : memref<1x128xi32, #tpu.memory_space<vmem>> -> memref<128xi32, #tpu.memory_space<vmem>>
      %dma_wait3A_146 = arith.constant 0 : i32
      %dma_wait3A_147 = arith.constant 0 : i32
      %dma_wait3A_148 = tpu.memref_slice %arg2[%dma_wait3A_146, %dma_wait3A_147] : memref<10240x128xf32, #tpu.memory_space<hbm>> -> memref<10240x128xf32, #tpu.memory_space<hbm>>
      tpu.wait_indirect_dma semaphore(%arg12 : memref<!tpu.dma_semaphore, #tpu.memory_space<semaphore_mem>>) src(%dma_wait3A_148 : memref<10240x128xf32, #tpu.memory_space<hbm>>) dst(%arg10 : memref<128x128xf32, #tpu.memory_space<vmem>>)
      %add3A_149 = arith.constant 2 : i32
      %add3A_150 = arith.addi %add3A_126, %add3A_149 : i32
      %dma_start3A_151 = arith.constant 0 : i32
      %dma_start3A_152 = tpu.memref_slice %arg7[%add3A_150, %dma_start3A_151] : memref<40x128xi32, #tpu.memory_space<vmem>> -> memref<1x128xi32, #tpu.memory_space<vmem>>
      %dma_start3A_153 = tpu.memref_squeeze %dma_start3A_152 : memref<1x128xi32, #tpu.memory_space<vmem>> -> memref<128xi32, #tpu.memory_space<vmem>>
      %dma_start3A_154 = arith.constant 0 : i32
      %dma_start3A_155 = arith.constant 0 : i32
      %dma_start3A_156 = tpu.memref_slice %arg2[%dma_start3A_154, %dma_start3A_155] : memref<10240x128xf32, #tpu.memory_space<hbm>> -> memref<10240x128xf32, #tpu.memory_space<hbm>>
      tpu.enqueue_indirect_dma source(%dma_start3A_156 : memref<10240x128xf32, #tpu.memory_space<hbm>>) target(%arg9 : memref<128x128xf32, #tpu.memory_space<vmem>>) offsets(%dma_start3A_153 : memref<128xi32, #tpu.memory_space<vmem>>) semaphore(%arg12 : memref<!tpu.dma_semaphore, #tpu.memory_space<semaphore_mem>>)
      %add3A_157 = arith.constant 1 : i32
      %add3A_158 = arith.addi %add3A_126, %add3A_157 : i32
      "tpu.region"() ({
        %run_scoped3A_159 = tpu.sem_alloc : memref<!tpu.dma_semaphore, #tpu.memory_space<semaphore_mem>>
        %dma_start3A_160 = arith.constant 0 : i32
        %dma_start3A_161 = tpu.memref_slice %arg8[%add3A_158, %dma_start3A_160] : memref<40x128xi32, #tpu.memory_space<vmem>> -> memref<1x128xi32, #tpu.memory_space<vmem>>
        %dma_start3A_162 = tpu.memref_squeeze %dma_start3A_161 : memref<1x128xi32, #tpu.memory_space<vmem>> -> memref<128xi32, #tpu.memory_space<vmem>>
        %dma_start3A_163 = arith.constant 0 : i32
        %dma_start3A_164 = arith.constant 0 : i32
        %dma_start3A_165 = tpu.memref_slice %arg11[%dma_start3A_163, %dma_start3A_164] : memref<10240x128xf32, #tpu.memory_space<vmem_shared>> -> memref<10240x128xf32, #tpu.memory_space<vmem_shared>>
        tpu.enqueue_indirect_dma source(%arg10 : memref<128x128xf32, #tpu.memory_space<vmem>>) target(%dma_start3A_165 : memref<10240x128xf32, #tpu.memory_space<vmem_shared>>) offsets(%dma_start3A_162 : memref<128xi32, #tpu.memory_space<vmem>>) semaphore(%run_scoped3A_159 : memref<!tpu.dma_semaphore, #tpu.memory_space<semaphore_mem>>) {add = true}
        %dma_wait3A_166 = arith.constant 0 : i32
        %dma_wait3A_167 = tpu.memref_slice %arg8[%add3A_158, %dma_wait3A_166] : memref<40x128xi32, #tpu.memory_space<vmem>> -> memref<1x128xi32, #tpu.memory_space<vmem>>
        %dma_wait3A_168 = tpu.memref_squeeze %dma_wait3A_167 : memref<1x128xi32, #tpu.memory_space<vmem>> -> memref<128xi32, #tpu.memory_space<vmem>>
        %dma_wait3A_169 = arith.constant 0 : i32
        %dma_wait3A_170 = arith.constant 0 : i32
        %dma_wait3A_171 = tpu.memref_slice %arg11[%dma_wait3A_169, %dma_wait3A_170] : memref<10240x128xf32, #tpu.memory_space<vmem_shared>> -> memref<10240x128xf32, #tpu.memory_space<vmem_shared>>
        tpu.wait_indirect_dma semaphore(%run_scoped3A_159 : memref<!tpu.dma_semaphore, #tpu.memory_space<semaphore_mem>>) src(%arg10 : memref<128x128xf32, #tpu.memory_space<vmem>>) dst(%dma_wait3A_171 : memref<10240x128xf32, #tpu.memory_space<vmem_shared>>)
        tpu.yield
      }) : () -> ()
    }
    %scan3A_35 = arith.constant 19 : i32
    %dma_wait3A_36 = arith.constant 38 : i32
    %dma_wait3A_37 = arith.constant 0 : i32
    %dma_wait3A_38 = tpu.memref_slice %arg7[%dma_wait3A_36, %dma_wait3A_37] : memref<40x128xi32, #tpu.memory_space<vmem>> -> memref<1x128xi32, #tpu.memory_space<vmem>>
    %dma_wait3A_39 = tpu.memref_squeeze %dma_wait3A_38 : memref<1x128xi32, #tpu.memory_space<vmem>> -> memref<128xi32, #tpu.memory_space<vmem>>
    %dma_wait3A_40 = arith.constant 0 : i32
    %dma_wait3A_41 = arith.constant 0 : i32
    %dma_wait3A_42 = tpu.memref_slice %arg2[%dma_wait3A_40, %dma_wait3A_41] : memref<10240x128xf32, #tpu.memory_space<hbm>> -> memref<10240x128xf32, #tpu.memory_space<hbm>>
    tpu.wait_indirect_dma semaphore(%arg12 : memref<!tpu.dma_semaphore, #tpu.memory_space<semaphore_mem>>) src(%dma_wait3A_42 : memref<10240x128xf32, #tpu.memory_space<hbm>>) dst(%arg9 : memref<128x128xf32, #tpu.memory_space<vmem>>)
    %dma_start3A_43 = arith.constant 39 : i32
    %dma_start3A_44 = arith.constant 0 : i32
    %dma_start3A_45 = tpu.memref_slice %arg7[%dma_start3A_43, %dma_start3A_44] : memref<40x128xi32, #tpu.memory_space<vmem>> -> memref<1x128xi32, #tpu.memory_space<vmem>>
    %dma_start3A_46 = tpu.memref_squeeze %dma_start3A_45 : memref<1x128xi32, #tpu.memory_space<vmem>> -> memref<128xi32, #tpu.memory_space<vmem>>
    %dma_start3A_47 = arith.constant 0 : i32
    %dma_start3A_48 = arith.constant 0 : i32
    %dma_start3A_49 = tpu.memref_slice %arg2[%dma_start3A_47, %dma_start3A_48] : memref<10240x128xf32, #tpu.memory_space<hbm>> -> memref<10240x128xf32, #tpu.memory_space<hbm>>
    tpu.enqueue_indirect_dma source(%dma_start3A_49 : memref<10240x128xf32, #tpu.memory_space<hbm>>) target(%arg10 : memref<128x128xf32, #tpu.memory_space<vmem>>) offsets(%dma_start3A_46 : memref<128xi32, #tpu.memory_space<vmem>>) semaphore(%arg12 : memref<!tpu.dma_semaphore, #tpu.memory_space<semaphore_mem>>)
    %run_scoped3A = arith.constant 38 : i32
    "tpu.region"() ({
      %run_scoped3A_122 = tpu.sem_alloc : memref<!tpu.dma_semaphore, #tpu.memory_space<semaphore_mem>>
      %dma_start3A_123 = arith.constant 0 : i32
      %dma_start3A_124 = tpu.memref_slice %arg8[%run_scoped3A, %dma_start3A_123] : memref<40x128xi32, #tpu.memory_space<vmem>> -> memref<1x128xi32, #tpu.memory_space<vmem>>
      %dma_start3A_125 = tpu.memref_squeeze %dma_start3A_124 : memref<1x128xi32, #tpu.memory_space<vmem>> -> memref<128xi32, #tpu.memory_space<vmem>>
      %dma_start3A_126 = arith.constant 0 : i32
      %dma_start3A_127 = arith.constant 0 : i32
      %dma_start3A_128 = tpu.memref_slice %arg11[%dma_start3A_126, %dma_start3A_127] : memref<10240x128xf32, #tpu.memory_space<vmem_shared>> -> memref<10240x128xf32, #tpu.memory_space<vmem_shared>>
      tpu.enqueue_indirect_dma source(%arg9 : memref<128x128xf32, #tpu.memory_space<vmem>>) target(%dma_start3A_128 : memref<10240x128xf32, #tpu.memory_space<vmem_shared>>) offsets(%dma_start3A_125 : memref<128xi32, #tpu.memory_space<vmem>>) semaphore(%run_scoped3A_122 : memref<!tpu.dma_semaphore, #tpu.memory_space<semaphore_mem>>) {add = true}
      %dma_wait3A_129 = arith.constant 0 : i32
      %dma_wait3A_130 = tpu.memref_slice %arg8[%run_scoped3A, %dma_wait3A_129] : memref<40x128xi32, #tpu.memory_space<vmem>> -> memref<1x128xi32, #tpu.memory_space<vmem>>
      %dma_wait3A_131 = tpu.memref_squeeze %dma_wait3A_130 : memref<1x128xi32, #tpu.memory_space<vmem>> -> memref<128xi32, #tpu.memory_space<vmem>>
      %dma_wait3A_132 = arith.constant 0 : i32
      %dma_wait3A_133 = arith.constant 0 : i32
      %dma_wait3A_134 = tpu.memref_slice %arg11[%dma_wait3A_132, %dma_wait3A_133] : memref<10240x128xf32, #tpu.memory_space<vmem_shared>> -> memref<10240x128xf32, #tpu.memory_space<vmem_shared>>
      tpu.wait_indirect_dma semaphore(%run_scoped3A_122 : memref<!tpu.dma_semaphore, #tpu.memory_space<semaphore_mem>>) src(%arg9 : memref<128x128xf32, #tpu.memory_space<vmem>>) dst(%dma_wait3A_134 : memref<10240x128xf32, #tpu.memory_space<vmem_shared>>)
      tpu.yield
    }) : () -> ()
    %dma_wait3A_50 = arith.constant 39 : i32
    %dma_wait3A_51 = arith.constant 0 : i32
    %dma_wait3A_52 = tpu.memref_slice %arg7[%dma_wait3A_50, %dma_wait3A_51] : memref<40x128xi32, #tpu.memory_space<vmem>> -> memref<1x128xi32, #tpu.memory_space<vmem>>
    %dma_wait3A_53 = tpu.memref_squeeze %dma_wait3A_52 : memref<1x128xi32, #tpu.memory_space<vmem>> -> memref<128xi32, #tpu.memory_space<vmem>>
    %dma_wait3A_54 = arith.constant 0 : i32
    %dma_wait3A_55 = arith.constant 0 : i32
    %dma_wait3A_56 = tpu.memref_slice %arg2[%dma_wait3A_54, %dma_wait3A_55] : memref<10240x128xf32, #tpu.memory_space<hbm>> -> memref<10240x128xf32, #tpu.memory_space<hbm>>
    tpu.wait_indirect_dma semaphore(%arg12 : memref<!tpu.dma_semaphore, #tpu.memory_space<semaphore_mem>>) src(%dma_wait3A_56 : memref<10240x128xf32, #tpu.memory_space<hbm>>) dst(%arg10 : memref<128x128xf32, #tpu.memory_space<vmem>>)
    %run_scoped3A_57 = arith.constant 39 : i32
    "tpu.region"() ({
      %run_scoped3A_122 = tpu.sem_alloc : memref<!tpu.dma_semaphore, #tpu.memory_space<semaphore_mem>>
      %dma_start3A_123 = arith.constant 0 : i32
      %dma_start3A_124 = tpu.memref_slice %arg8[%run_scoped3A_57, %dma_start3A_123] : memref<40x128xi32, #tpu.memory_space<vmem>> -> memref<1x128xi32, #tpu.memory_space<vmem>>
      %dma_start3A_125 = tpu.memref_squeeze %dma_start3A_124 : memref<1x128xi32, #tpu.memory_space<vmem>> -> memref<128xi32, #tpu.memory_space<vmem>>
      %dma_start3A_126 = arith.constant 0 : i32
      %dma_start3A_127 = arith.constant 0 : i32
      %dma_start3A_128 = tpu.memref_slice %arg11[%dma_start3A_126, %dma_start3A_127] : memref<10240x128xf32, #tpu.memory_space<vmem_shared>> -> memref<10240x128xf32, #tpu.memory_space<vmem_shared>>
      tpu.enqueue_indirect_dma source(%arg10 : memref<128x128xf32, #tpu.memory_space<vmem>>) target(%dma_start3A_128 : memref<10240x128xf32, #tpu.memory_space<vmem_shared>>) offsets(%dma_start3A_125 : memref<128xi32, #tpu.memory_space<vmem>>) semaphore(%run_scoped3A_122 : memref<!tpu.dma_semaphore, #tpu.memory_space<semaphore_mem>>) {add = true}
      %dma_wait3A_129 = arith.constant 0 : i32
      %dma_wait3A_130 = tpu.memref_slice %arg8[%run_scoped3A_57, %dma_wait3A_129] : memref<40x128xi32, #tpu.memory_space<vmem>> -> memref<1x128xi32, #tpu.memory_space<vmem>>
      %dma_wait3A_131 = tpu.memref_squeeze %dma_wait3A_130 : memref<1x128xi32, #tpu.memory_space<vmem>> -> memref<128xi32, #tpu.memory_space<vmem>>
      %dma_wait3A_132 = arith.constant 0 : i32
      %dma_wait3A_133 = arith.constant 0 : i32
      %dma_wait3A_134 = tpu.memref_slice %arg11[%dma_wait3A_132, %dma_wait3A_133] : memref<10240x128xf32, #tpu.memory_space<vmem_shared>> -> memref<10240x128xf32, #tpu.memory_space<vmem_shared>>
      tpu.wait_indirect_dma semaphore(%run_scoped3A_122 : memref<!tpu.dma_semaphore, #tpu.memory_space<semaphore_mem>>) src(%arg10 : memref<128x128xf32, #tpu.memory_space<vmem>>) dst(%dma_wait3A_134 : memref<10240x128xf32, #tpu.memory_space<vmem_shared>>)
      tpu.yield
    }) : () -> ()
    %mul3A_58 = arith.constant 80 : i32
    %mul3A_59 = arith.muli %add3A, %mul3A_58 : i32
    %add3A_60 = arith.constant 40 : i32
    %add3A_61 = arith.addi %mul3A_59, %add3A_60 : i32
    %dma_start3A_62 = arith.constant 0 : i32
    %dma_start3A_63 = tpu.memref_slice %arg3[%add3A_61, %dma_start3A_62] : memref<2560x128xi32, #tpu.memory_space<hbm>> -> memref<40x128xi32, #tpu.memory_space<hbm>>
    %dma_start3A_64 = arith.constant 0 : i32
    %dma_start3A_65 = tpu.memref_slice %arg3[%add3A_61, %dma_start3A_64] : memref<2560x128xi32, #tpu.memory_space<hbm>> -> memref<40x128xi32, #tpu.memory_space<hbm>>
    tpu.enqueue_dma source(%dma_start3A_65 : memref<40x128xi32, #tpu.memory_space<hbm>>) target(%arg7 : memref<40x128xi32, #tpu.memory_space<vmem>>) target_semaphore(%arg12 : memref<!tpu.dma_semaphore, #tpu.memory_space<semaphore_mem>>)
    %mul3A_66 = arith.constant 80 : i32
    %mul3A_67 = arith.muli %add3A, %mul3A_66 : i32
    %add3A_68 = arith.constant 40 : i32
    %add3A_69 = arith.addi %mul3A_67, %add3A_68 : i32
    %dma_start3A_70 = arith.constant 0 : i32
    %dma_start3A_71 = tpu.memref_slice %arg4[%add3A_69, %dma_start3A_70] : memref<2560x128xi32, #tpu.memory_space<hbm>> -> memref<40x128xi32, #tpu.memory_space<hbm>>
    %dma_start3A_72 = arith.constant 0 : i32
    %dma_start3A_73 = tpu.memref_slice %arg4[%add3A_69, %dma_start3A_72] : memref<2560x128xi32, #tpu.memory_space<hbm>> -> memref<40x128xi32, #tpu.memory_space<hbm>>
    tpu.enqueue_dma source(%dma_start3A_73 : memref<40x128xi32, #tpu.memory_space<hbm>>) target(%arg8 : memref<40x128xi32, #tpu.memory_space<vmem>>) target_semaphore(%arg12 : memref<!tpu.dma_semaphore, #tpu.memory_space<semaphore_mem>>)
    %dma_wait3A_74 = arith.constant 0 : i32
    %dma_wait3A_75 = tpu.memref_slice %arg3[%add3A_61, %dma_wait3A_74] : memref<2560x128xi32, #tpu.memory_space<hbm>> -> memref<40x128xi32, #tpu.memory_space<hbm>>
    %dma_wait3A_76 = arith.constant 0 : i32
    %dma_wait3A_77 = tpu.memref_slice %arg3[%add3A_61, %dma_wait3A_76] : memref<2560x128xi32, #tpu.memory_space<hbm>> -> memref<40x128xi32, #tpu.memory_space<hbm>>
    tpu.wait_dma2 semaphore(%arg12 : memref<!tpu.dma_semaphore, #tpu.memory_space<semaphore_mem>>) src(%dma_wait3A_77 : memref<40x128xi32, #tpu.memory_space<hbm>>) dst(%arg7 : memref<40x128xi32, #tpu.memory_space<vmem>>)
    %dma_wait3A_78 = arith.constant 0 : i32
    %dma_wait3A_79 = tpu.memref_slice %arg4[%add3A_69, %dma_wait3A_78] : memref<2560x128xi32, #tpu.memory_space<hbm>> -> memref<40x128xi32, #tpu.memory_space<hbm>>
    %dma_wait3A_80 = arith.constant 0 : i32
    %dma_wait3A_81 = tpu.memref_slice %arg4[%add3A_69, %dma_wait3A_80] : memref<2560x128xi32, #tpu.memory_space<hbm>> -> memref<40x128xi32, #tpu.memory_space<hbm>>
    tpu.wait_dma2 semaphore(%arg12 : memref<!tpu.dma_semaphore, #tpu.memory_space<semaphore_mem>>) src(%dma_wait3A_81 : memref<40x128xi32, #tpu.memory_space<hbm>>) dst(%arg8 : memref<40x128xi32, #tpu.memory_space<vmem>>)
    %dma_start3A_82 = arith.constant 0 : i32
    %dma_start3A_83 = arith.constant 0 : i32
    %dma_start3A_84 = tpu.memref_slice %arg7[%dma_start3A_82, %dma_start3A_83] : memref<40x128xi32, #tpu.memory_space<vmem>> -> memref<1x128xi32, #tpu.memory_space<vmem>>
    %dma_start3A_85 = tpu.memref_squeeze %dma_start3A_84 : memref<1x128xi32, #tpu.memory_space<vmem>> -> memref<128xi32, #tpu.memory_space<vmem>>
    %dma_start3A_86 = arith.constant 0 : i32
    %dma_start3A_87 = arith.constant 0 : i32
    %dma_start3A_88 = tpu.memref_slice %arg2[%dma_start3A_86, %dma_start3A_87] : memref<10240x128xf32, #tpu.memory_space<hbm>> -> memref<10240x128xf32, #tpu.memory_space<hbm>>
    tpu.enqueue_indirect_dma source(%dma_start3A_88 : memref<10240x128xf32, #tpu.memory_space<hbm>>) target(%arg9 : memref<128x128xf32, #tpu.memory_space<vmem>>) offsets(%dma_start3A_85 : memref<128xi32, #tpu.memory_space<vmem>>) semaphore(%arg12 : memref<!tpu.dma_semaphore, #tpu.memory_space<semaphore_mem>>)
    %scan3A_89 = arith.constant 0 : i32
    %scan3A_90 = arith.constant 19 : i32
    %scan3A_91 = arith.addi %scan3A_89, %scan3A_90 : i32
    %scan3A_92 = arith.constant 1 : i32
    scf.for %scan3A_122 = %scan3A_89 to %scan3A_91 step %scan3A_92  : i32 {
      %mul3A_123 = arith.constant 2 : i32
      %mul3A_124 = arith.muli %scan3A_122, %mul3A_123 : i32
      %add3A_125 = arith.constant 0 : i32
      %add3A_126 = arith.addi %add3A_125, %mul3A_124 : i32
      %dma_wait3A_127 = arith.constant 0 : i32
      %dma_wait3A_128 = tpu.memref_slice %arg7[%add3A_126, %dma_wait3A_127] : memref<40x128xi32, #tpu.memory_space<vmem>> -> memref<1x128xi32, #tpu.memory_space<vmem>>
      %dma_wait3A_129 = tpu.memref_squeeze %dma_wait3A_128 : memref<1x128xi32, #tpu.memory_space<vmem>> -> memref<128xi32, #tpu.memory_space<vmem>>
      %dma_wait3A_130 = arith.constant 0 : i32
      %dma_wait3A_131 = arith.constant 0 : i32
      %dma_wait3A_132 = tpu.memref_slice %arg2[%dma_wait3A_130, %dma_wait3A_131] : memref<10240x128xf32, #tpu.memory_space<hbm>> -> memref<10240x128xf32, #tpu.memory_space<hbm>>
      tpu.wait_indirect_dma semaphore(%arg12 : memref<!tpu.dma_semaphore, #tpu.memory_space<semaphore_mem>>) src(%dma_wait3A_132 : memref<10240x128xf32, #tpu.memory_space<hbm>>) dst(%arg9 : memref<128x128xf32, #tpu.memory_space<vmem>>)
      %add3A_133 = arith.constant 1 : i32
      %add3A_134 = arith.addi %add3A_126, %add3A_133 : i32
      %dma_start3A_135 = arith.constant 0 : i32
      %dma_start3A_136 = tpu.memref_slice %arg7[%add3A_134, %dma_start3A_135] : memref<40x128xi32, #tpu.memory_space<vmem>> -> memref<1x128xi32, #tpu.memory_space<vmem>>
      %dma_start3A_137 = tpu.memref_squeeze %dma_start3A_136 : memref<1x128xi32, #tpu.memory_space<vmem>> -> memref<128xi32, #tpu.memory_space<vmem>>
      %dma_start3A_138 = arith.constant 0 : i32
      %dma_start3A_139 = arith.constant 0 : i32
      %dma_start3A_140 = tpu.memref_slice %arg2[%dma_start3A_138, %dma_start3A_139] : memref<10240x128xf32, #tpu.memory_space<hbm>> -> memref<10240x128xf32, #tpu.memory_space<hbm>>
      tpu.enqueue_indirect_dma source(%dma_start3A_140 : memref<10240x128xf32, #tpu.memory_space<hbm>>) target(%arg10 : memref<128x128xf32, #tpu.memory_space<vmem>>) offsets(%dma_start3A_137 : memref<128xi32, #tpu.memory_space<vmem>>) semaphore(%arg12 : memref<!tpu.dma_semaphore, #tpu.memory_space<semaphore_mem>>)
      "tpu.region"() ({
        %run_scoped3A_159 = tpu.sem_alloc : memref<!tpu.dma_semaphore, #tpu.memory_space<semaphore_mem>>
        %dma_start3A_160 = arith.constant 0 : i32
        %dma_start3A_161 = tpu.memref_slice %arg8[%add3A_126, %dma_start3A_160] : memref<40x128xi32, #tpu.memory_space<vmem>> -> memref<1x128xi32, #tpu.memory_space<vmem>>
        %dma_start3A_162 = tpu.memref_squeeze %dma_start3A_161 : memref<1x128xi32, #tpu.memory_space<vmem>> -> memref<128xi32, #tpu.memory_space<vmem>>
        %dma_start3A_163 = arith.constant 0 : i32
        %dma_start3A_164 = arith.constant 0 : i32
        %dma_start3A_165 = tpu.memref_slice %arg11[%dma_start3A_163, %dma_start3A_164] : memref<10240x128xf32, #tpu.memory_space<vmem_shared>> -> memref<10240x128xf32, #tpu.memory_space<vmem_shared>>
        tpu.enqueue_indirect_dma source(%arg9 : memref<128x128xf32, #tpu.memory_space<vmem>>) target(%dma_start3A_165 : memref<10240x128xf32, #tpu.memory_space<vmem_shared>>) offsets(%dma_start3A_162 : memref<128xi32, #tpu.memory_space<vmem>>) semaphore(%run_scoped3A_159 : memref<!tpu.dma_semaphore, #tpu.memory_space<semaphore_mem>>) {add = true}
        %dma_wait3A_166 = arith.constant 0 : i32
        %dma_wait3A_167 = tpu.memref_slice %arg8[%add3A_126, %dma_wait3A_166] : memref<40x128xi32, #tpu.memory_space<vmem>> -> memref<1x128xi32, #tpu.memory_space<vmem>>
        %dma_wait3A_168 = tpu.memref_squeeze %dma_wait3A_167 : memref<1x128xi32, #tpu.memory_space<vmem>> -> memref<128xi32, #tpu.memory_space<vmem>>
        %dma_wait3A_169 = arith.constant 0 : i32
        %dma_wait3A_170 = arith.constant 0 : i32
        %dma_wait3A_171 = tpu.memref_slice %arg11[%dma_wait3A_169, %dma_wait3A_170] : memref<10240x128xf32, #tpu.memory_space<vmem_shared>> -> memref<10240x128xf32, #tpu.memory_space<vmem_shared>>
        tpu.wait_indirect_dma semaphore(%run_scoped3A_159 : memref<!tpu.dma_semaphore, #tpu.memory_space<semaphore_mem>>) src(%arg9 : memref<128x128xf32, #tpu.memory_space<vmem>>) dst(%dma_wait3A_171 : memref<10240x128xf32, #tpu.memory_space<vmem_shared>>)
        tpu.yield
      }) : () -> ()
      %add3A_141 = arith.constant 1 : i32
      %add3A_142 = arith.addi %add3A_126, %add3A_141 : i32
      %dma_wait3A_143 = arith.constant 0 : i32
      %dma_wait3A_144 = tpu.memref_slice %arg7[%add3A_142, %dma_wait3A_143] : memref<40x128xi32, #tpu.memory_space<vmem>> -> memref<1x128xi32, #tpu.memory_space<vmem>>
      %dma_wait3A_145 = tpu.memref_squeeze %dma_wait3A_144 : memref<1x128xi32, #tpu.memory_space<vmem>> -> memref<128xi32, #tpu.memory_space<vmem>>
      %dma_wait3A_146 = arith.constant 0 : i32
      %dma_wait3A_147 = arith.constant 0 : i32
      %dma_wait3A_148 = tpu.memref_slice %arg2[%dma_wait3A_146, %dma_wait3A_147] : memref<10240x128xf32, #tpu.memory_space<hbm>> -> memref<10240x128xf32, #tpu.memory_space<hbm>>
      tpu.wait_indirect_dma semaphore(%arg12 : memref<!tpu.dma_semaphore, #tpu.memory_space<semaphore_mem>>) src(%dma_wait3A_148 : memref<10240x128xf32, #tpu.memory_space<hbm>>) dst(%arg10 : memref<128x128xf32, #tpu.memory_space<vmem>>)
      %add3A_149 = arith.constant 2 : i32
      %add3A_150 = arith.addi %add3A_126, %add3A_149 : i32
      %dma_start3A_151 = arith.constant 0 : i32
      %dma_start3A_152 = tpu.memref_slice %arg7[%add3A_150, %dma_start3A_151] : memref<40x128xi32, #tpu.memory_space<vmem>> -> memref<1x128xi32, #tpu.memory_space<vmem>>
      %dma_start3A_153 = tpu.memref_squeeze %dma_start3A_152 : memref<1x128xi32, #tpu.memory_space<vmem>> -> memref<128xi32, #tpu.memory_space<vmem>>
      %dma_start3A_154 = arith.constant 0 : i32
      %dma_start3A_155 = arith.constant 0 : i32
      %dma_start3A_156 = tpu.memref_slice %arg2[%dma_start3A_154, %dma_start3A_155] : memref<10240x128xf32, #tpu.memory_space<hbm>> -> memref<10240x128xf32, #tpu.memory_space<hbm>>
      tpu.enqueue_indirect_dma source(%dma_start3A_156 : memref<10240x128xf32, #tpu.memory_space<hbm>>) target(%arg9 : memref<128x128xf32, #tpu.memory_space<vmem>>) offsets(%dma_start3A_153 : memref<128xi32, #tpu.memory_space<vmem>>) semaphore(%arg12 : memref<!tpu.dma_semaphore, #tpu.memory_space<semaphore_mem>>)
      %add3A_157 = arith.constant 1 : i32
      %add3A_158 = arith.addi %add3A_126, %add3A_157 : i32
      "tpu.region"() ({
        %run_scoped3A_159 = tpu.sem_alloc : memref<!tpu.dma_semaphore, #tpu.memory_space<semaphore_mem>>
        %dma_start3A_160 = arith.constant 0 : i32
        %dma_start3A_161 = tpu.memref_slice %arg8[%add3A_158, %dma_start3A_160] : memref<40x128xi32, #tpu.memory_space<vmem>> -> memref<1x128xi32, #tpu.memory_space<vmem>>
        %dma_start3A_162 = tpu.memref_squeeze %dma_start3A_161 : memref<1x128xi32, #tpu.memory_space<vmem>> -> memref<128xi32, #tpu.memory_space<vmem>>
        %dma_start3A_163 = arith.constant 0 : i32
        %dma_start3A_164 = arith.constant 0 : i32
        %dma_start3A_165 = tpu.memref_slice %arg11[%dma_start3A_163, %dma_start3A_164] : memref<10240x128xf32, #tpu.memory_space<vmem_shared>> -> memref<10240x128xf32, #tpu.memory_space<vmem_shared>>
        tpu.enqueue_indirect_dma source(%arg10 : memref<128x128xf32, #tpu.memory_space<vmem>>) target(%dma_start3A_165 : memref<10240x128xf32, #tpu.memory_space<vmem_shared>>) offsets(%dma_start3A_162 : memref<128xi32, #tpu.memory_space<vmem>>) semaphore(%run_scoped3A_159 : memref<!tpu.dma_semaphore, #tpu.memory_space<semaphore_mem>>) {add = true}
        %dma_wait3A_166 = arith.constant 0 : i32
        %dma_wait3A_167 = tpu.memref_slice %arg8[%add3A_158, %dma_wait3A_166] : memref<40x128xi32, #tpu.memory_space<vmem>> -> memref<1x128xi32, #tpu.memory_space<vmem>>
        %dma_wait3A_168 = tpu.memref_squeeze %dma_wait3A_167 : memref<1x128xi32, #tpu.memory_space<vmem>> -> memref<128xi32, #tpu.memory_space<vmem>>
        %dma_wait3A_169 = arith.constant 0 : i32
        %dma_wait3A_170 = arith.constant 0 : i32
        %dma_wait3A_171 = tpu.memref_slice %arg11[%dma_wait3A_169, %dma_wait3A_170] : memref<10240x128xf32, #tpu.memory_space<vmem_shared>> -> memref<10240x128xf32, #tpu.memory_space<vmem_shared>>
        tpu.wait_indirect_dma semaphore(%run_scoped3A_159 : memref<!tpu.dma_semaphore, #tpu.memory_space<semaphore_mem>>) src(%arg10 : memref<128x128xf32, #tpu.memory_space<vmem>>) dst(%dma_wait3A_171 : memref<10240x128xf32, #tpu.memory_space<vmem_shared>>)
        tpu.yield
      }) : () -> ()
    }
    %scan3A_93 = arith.constant 19 : i32
    %dma_wait3A_94 = arith.constant 38 : i32
    %dma_wait3A_95 = arith.constant 0 : i32
    %dma_wait3A_96 = tpu.memref_slice %arg7[%dma_wait3A_94, %dma_wait3A_95] : memref<40x128xi32, #tpu.memory_space<vmem>> -> memref<1x128xi32, #tpu.memory_space<vmem>>
    %dma_wait3A_97 = tpu.memref_squeeze %dma_wait3A_96 : memref<1x128xi32, #tpu.memory_space<vmem>> -> memref<128xi32, #tpu.memory_space<vmem>>
    %dma_wait3A_98 = arith.constant 0 : i32
    %dma_wait3A_99 = arith.constant 0 : i32
    %dma_wait3A_100 = tpu.memref_slice %arg2[%dma_wait3A_98, %dma_wait3A_99] : memref<10240x128xf32, #tpu.memory_space<hbm>> -> memref<10240x128xf32, #tpu.memory_space<hbm>>
    tpu.wait_indirect_dma semaphore(%arg12 : memref<!tpu.dma_semaphore, #tpu.memory_space<semaphore_mem>>) src(%dma_wait3A_100 : memref<10240x128xf32, #tpu.memory_space<hbm>>) dst(%arg9 : memref<128x128xf32, #tpu.memory_space<vmem>>)
    %dma_start3A_101 = arith.constant 39 : i32
    %dma_start3A_102 = arith.constant 0 : i32
    %dma_start3A_103 = tpu.memref_slice %arg7[%dma_start3A_101, %dma_start3A_102] : memref<40x128xi32, #tpu.memory_space<vmem>> -> memref<1x128xi32, #tpu.memory_space<vmem>>
    %dma_start3A_104 = tpu.memref_squeeze %dma_start3A_103 : memref<1x128xi32, #tpu.memory_space<vmem>> -> memref<128xi32, #tpu.memory_space<vmem>>
    %dma_start3A_105 = arith.constant 0 : i32
    %dma_start3A_106 = arith.constant 0 : i32
    %dma_start3A_107 = tpu.memref_slice %arg2[%dma_start3A_105, %dma_start3A_106] : memref<10240x128xf32, #tpu.memory_space<hbm>> -> memref<10240x128xf32, #tpu.memory_space<hbm>>
    tpu.enqueue_indirect_dma source(%dma_start3A_107 : memref<10240x128xf32, #tpu.memory_space<hbm>>) target(%arg10 : memref<128x128xf32, #tpu.memory_space<vmem>>) offsets(%dma_start3A_104 : memref<128xi32, #tpu.memory_space<vmem>>) semaphore(%arg12 : memref<!tpu.dma_semaphore, #tpu.memory_space<semaphore_mem>>)
    %run_scoped3A_108 = arith.constant 38 : i32
    "tpu.region"() ({
      %run_scoped3A_122 = tpu.sem_alloc : memref<!tpu.dma_semaphore, #tpu.memory_space<semaphore_mem>>
      %dma_start3A_123 = arith.constant 0 : i32
      %dma_start3A_124 = tpu.memref_slice %arg8[%run_scoped3A_108, %dma_start3A_123] : memref<40x128xi32, #tpu.memory_space<vmem>> -> memref<1x128xi32, #tpu.memory_space<vmem>>
      %dma_start3A_125 = tpu.memref_squeeze %dma_start3A_124 : memref<1x128xi32, #tpu.memory_space<vmem>> -> memref<128xi32, #tpu.memory_space<vmem>>
      %dma_start3A_126 = arith.constant 0 : i32
      %dma_start3A_127 = arith.constant 0 : i32
      %dma_start3A_128 = tpu.memref_slice %arg11[%dma_start3A_126, %dma_start3A_127] : memref<10240x128xf32, #tpu.memory_space<vmem_shared>> -> memref<10240x128xf32, #tpu.memory_space<vmem_shared>>
      tpu.enqueue_indirect_dma source(%arg9 : memref<128x128xf32, #tpu.memory_space<vmem>>) target(%dma_start3A_128 : memref<10240x128xf32, #tpu.memory_space<vmem_shared>>) offsets(%dma_start3A_125 : memref<128xi32, #tpu.memory_space<vmem>>) semaphore(%run_scoped3A_122 : memref<!tpu.dma_semaphore, #tpu.memory_space<semaphore_mem>>) {add = true}
      %dma_wait3A_129 = arith.constant 0 : i32
      %dma_wait3A_130 = tpu.memref_slice %arg8[%run_scoped3A_108, %dma_wait3A_129] : memref<40x128xi32, #tpu.memory_space<vmem>> -> memref<1x128xi32, #tpu.memory_space<vmem>>
      %dma_wait3A_131 = tpu.memref_squeeze %dma_wait3A_130 : memref<1x128xi32, #tpu.memory_space<vmem>> -> memref<128xi32, #tpu.memory_space<vmem>>
      %dma_wait3A_132 = arith.constant 0 : i32
      %dma_wait3A_133 = arith.constant 0 : i32
      %dma_wait3A_134 = tpu.memref_slice %arg11[%dma_wait3A_132, %dma_wait3A_133] : memref<10240x128xf32, #tpu.memory_space<vmem_shared>> -> memref<10240x128xf32, #tpu.memory_space<vmem_shared>>
      tpu.wait_indirect_dma semaphore(%run_scoped3A_122 : memref<!tpu.dma_semaphore, #tpu.memory_space<semaphore_mem>>) src(%arg9 : memref<128x128xf32, #tpu.memory_space<vmem>>) dst(%dma_wait3A_134 : memref<10240x128xf32, #tpu.memory_space<vmem_shared>>)
      tpu.yield
    }) : () -> ()
    %dma_wait3A_109 = arith.constant 39 : i32
    %dma_wait3A_110 = arith.constant 0 : i32
    %dma_wait3A_111 = tpu.memref_slice %arg7[%dma_wait3A_109, %dma_wait3A_110] : memref<40x128xi32, #tpu.memory_space<vmem>> -> memref<1x128xi32, #tpu.memory_space<vmem>>
    %dma_wait3A_112 = tpu.memref_squeeze %dma_wait3A_111 : memref<1x128xi32, #tpu.memory_space<vmem>> -> memref<128xi32, #tpu.memory_space<vmem>>
    %dma_wait3A_113 = arith.constant 0 : i32
    %dma_wait3A_114 = arith.constant 0 : i32
    %dma_wait3A_115 = tpu.memref_slice %arg2[%dma_wait3A_113, %dma_wait3A_114] : memref<10240x128xf32, #tpu.memory_space<hbm>> -> memref<10240x128xf32, #tpu.memory_space<hbm>>
    tpu.wait_indirect_dma semaphore(%arg12 : memref<!tpu.dma_semaphore, #tpu.memory_space<semaphore_mem>>) src(%dma_wait3A_115 : memref<10240x128xf32, #tpu.memory_space<hbm>>) dst(%arg10 : memref<128x128xf32, #tpu.memory_space<vmem>>)
    %run_scoped3A_116 = arith.constant 39 : i32
    "tpu.region"() ({
      %run_scoped3A_122 = tpu.sem_alloc : memref<!tpu.dma_semaphore, #tpu.memory_space<semaphore_mem>>
      %dma_start3A_123 = arith.constant 0 : i32
      %dma_start3A_124 = tpu.memref_slice %arg8[%run_scoped3A_116, %dma_start3A_123] : memref<40x128xi32, #tpu.memory_space<vmem>> -> memref<1x128xi32, #tpu.memory_space<vmem>>
      %dma_start3A_125 = tpu.memref_squeeze %dma_start3A_124 : memref<1x128xi32, #tpu.memory_space<vmem>> -> memref<128xi32, #tpu.memory_space<vmem>>
      %dma_start3A_126 = arith.constant 0 : i32
      %dma_start3A_127 = arith.constant 0 : i32
      %dma_start3A_128 = tpu.memref_slice %arg11[%dma_start3A_126, %dma_start3A_127] : memref<10240x128xf32, #tpu.memory_space<vmem_shared>> -> memref<10240x128xf32, #tpu.memory_space<vmem_shared>>
      tpu.enqueue_indirect_dma source(%arg10 : memref<128x128xf32, #tpu.memory_space<vmem>>) target(%dma_start3A_128 : memref<10240x128xf32, #tpu.memory_space<vmem_shared>>) offsets(%dma_start3A_125 : memref<128xi32, #tpu.memory_space<vmem>>) semaphore(%run_scoped3A_122 : memref<!tpu.dma_semaphore, #tpu.memory_space<semaphore_mem>>) {add = true}
      %dma_wait3A_129 = arith.constant 0 : i32
      %dma_wait3A_130 = tpu.memref_slice %arg8[%run_scoped3A_116, %dma_wait3A_129] : memref<40x128xi32, #tpu.memory_space<vmem>> -> memref<1x128xi32, #tpu.memory_space<vmem>>
      %dma_wait3A_131 = tpu.memref_squeeze %dma_wait3A_130 : memref<1x128xi32, #tpu.memory_space<vmem>> -> memref<128xi32, #tpu.memory_space<vmem>>
      %dma_wait3A_132 = arith.constant 0 : i32
      %dma_wait3A_133 = arith.constant 0 : i32
      %dma_wait3A_134 = tpu.memref_slice %arg11[%dma_wait3A_132, %dma_wait3A_133] : memref<10240x128xf32, #tpu.memory_space<vmem_shared>> -> memref<10240x128xf32, #tpu.memory_space<vmem_shared>>
      tpu.wait_indirect_dma semaphore(%run_scoped3A_122 : memref<!tpu.dma_semaphore, #tpu.memory_space<semaphore_mem>>) src(%arg10 : memref<128x128xf32, #tpu.memory_space<vmem>>) dst(%dma_wait3A_134 : memref<10240x128xf32, #tpu.memory_space<vmem_shared>>)
      tpu.yield
    }) : () -> ()
    %barrier3A_117 = arith.constant 0 : index
    tpu.barrier barrier_id(%barrier3A_117)
    %mul3A_118 = arith.constant 640 : i32
    %mul3A_119 = arith.muli %arg1, %mul3A_118 : i32
    %mul3A_120 = arith.constant 640 : i32
    %mul3A_121 = arith.muli %arg1, %mul3A_120 : i32
    "tpu.region"() ({
      %run_scoped3A_122 = tpu.sem_alloc : memref<!tpu.dma_semaphore, #tpu.memory_space<semaphore_mem>>
      %dma_start3A_123 = arith.constant 0 : i32
      %dma_start3A_124 = tpu.memref_slice %arg6[%arg0, %mul3A_121, %dma_start3A_123] : memref<2x10240x128xf32, #tpu.memory_space<hbm>> -> memref<1x640x128xf32, #tpu.memory_space<hbm>>
      %dma_start3A_125 = tpu.memref_squeeze %dma_start3A_124 : memref<1x640x128xf32, #tpu.memory_space<hbm>> -> memref<640x128xf32, #tpu.memory_space<hbm>>
      %dma_start3A_126 = arith.constant 0 : i32
      %dma_start3A_127 = tpu.memref_slice %arg11[%mul3A_119, %dma_start3A_126] : memref<10240x128xf32, #tpu.memory_space<vmem_shared>> -> memref<640x128xf32, #tpu.memory_space<vmem_shared>>
      tpu.enqueue_dma source(%dma_start3A_127 : memref<640x128xf32, #tpu.memory_space<vmem_shared>>) target(%dma_start3A_125 : memref<640x128xf32, #tpu.memory_space<hbm>>) target_semaphore(%run_scoped3A_122 : memref<!tpu.dma_semaphore, #tpu.memory_space<semaphore_mem>>)
      %dma_wait3A_128 = arith.constant 0 : i32
      %dma_wait3A_129 = tpu.memref_slice %arg6[%arg0, %mul3A_121, %dma_wait3A_128] : memref<2x10240x128xf32, #tpu.memory_space<hbm>> -> memref<1x640x128xf32, #tpu.memory_space<hbm>>
      %dma_wait3A_130 = tpu.memref_squeeze %dma_wait3A_129 : memref<1x640x128xf32, #tpu.memory_space<hbm>> -> memref<640x128xf32, #tpu.memory_space<hbm>>
      %dma_wait3A_131 = arith.constant 0 : i32
      %dma_wait3A_132 = tpu.memref_slice %arg11[%mul3A_119, %dma_wait3A_131] : memref<10240x128xf32, #tpu.memory_space<vmem_shared>> -> memref<640x128xf32, #tpu.memory_space<vmem_shared>>
      tpu.wait_dma2 semaphore(%run_scoped3A_122 : memref<!tpu.dma_semaphore, #tpu.memory_space<semaphore_mem>>) src(%dma_wait3A_132 : memref<640x128xf32, #tpu.memory_space<vmem_shared>>) dst(%dma_wait3A_130 : memref<640x128xf32, #tpu.memory_space<hbm>>)
      tpu.yield
    }) : () -> ()
    return
  }
}

module attributes {stable_mosaic.version = 14 : i64} {
  func.func @_deg_tc_body(%arg0: i32, %arg1: memref<4096x1xi32, #tpu.memory_space<vmem>>, %arg2: memref<80x128xf32, #tpu.memory_space<vmem>>) attributes {dimension_semantics = [#tpu.dimension_semantics<arbitrary>], iteration_bounds = array<i64: 80>, scalar_prefetch = 0 : i64, scratch_operands = 0 : i64, tpu.core_type = #tpu.core_type<tc>, window_params = [{transform_indices = @transform_0, window_bounds = array<i64: 4096, 1>}, {pipeline_mode = #tpu.pipeline_mode<synchronous>, transform_indices = @transform_1, window_bounds = array<i64: 80, 128>}]} {
    %get3A = arith.constant 0 : index
    %get3A_0 = arith.constant 0 : index
    %get3A_1 = vector.load %arg1[%get3A, %get3A_0] : memref<4096x1xi32, #tpu.memory_space<vmem>>, vector<4096x1xi32>
    %and3A = arith.constant 127 : i32
    %and3A_2 = vector.broadcast %and3A : i32 to vector<4096x1xi32>
    %and3A_3 = arith.andi %get3A_1, %and3A_2 : vector<4096x1xi32>
    %shift_right_arithmetic3A = arith.constant 7 : i32
    %shift_right_arithmetic3A_4 = vector.broadcast %shift_right_arithmetic3A : i32 to vector<4096x1xi32>
    %shift_right_arithmetic3A_5 = arith.shrsi %get3A_1, %shift_right_arithmetic3A_4 : vector<4096x1xi32>
    %iota3A = tpu.iota {dimensions = array<i32: 1>} : vector<1x128xi32>
    %iota3A_6 = tpu.iota {dimensions = array<i32: 1>} : vector<1x80xi32>
    %eq3A = vector.broadcast %and3A_3 : vector<4096x1xi32> to vector<4096x128xi32>
    %eq3A_7 = vector.broadcast %iota3A : vector<1x128xi32> to vector<4096x128xi32>
    %eq3A_8 = arith.cmpi eq, %eq3A, %eq3A_7 : vector<4096x128xi32>
    %convert_element_type3A = arith.extui %eq3A_8 : vector<4096x128xi1> to vector<4096x128xi8>
    %eq3A_9 = vector.broadcast %shift_right_arithmetic3A_5 : vector<4096x1xi32> to vector<4096x80xi32>
    %eq3A_10 = vector.broadcast %iota3A_6 : vector<1x80xi32> to vector<4096x80xi32>
    %eq3A_11 = arith.cmpi eq, %eq3A_9, %eq3A_10 : vector<4096x80xi32>
    %convert_element_type3A_12 = arith.extui %eq3A_11 : vector<4096x80xi1> to vector<4096x80xi8>
    %dot_general3A = arith.constant dense<0> : vector<80x128xi32>
    %dot_general3A_13 = tpu.matmul %convert_element_type3A_12, %convert_element_type3A, %dot_general3A {dimension_numbers = #tpu.dot_dimension_numbers<[0], [0], [1], [1], [0, 1, 1, 1], [], []>, transpose_lhs_hint = false} : vector<4096x80xi8>, vector<4096x128xi8>, vector<80x128xi32> -> vector<80x128xi32>
    %convert_element_type3A_14 = arith.sitofp %dot_general3A_13 : vector<80x128xi32> to vector<80x128xf32>
    %eq3A_15 = arith.constant 0 : i32
    %eq3A_16 = arith.cmpi eq, %arg0, %eq3A_15 : i32
    %convert_element_type3A_17 = arith.extui %eq3A_16 : i1 to i32
    %cond3A = arith.constant 0 : i32
    %cond3A_18 = arith.cmpi ne, %convert_element_type3A_17, %cond3A : i32
    scf.if %cond3A_18 {
      %swap3A = arith.constant 0 : index
      %swap3A_23 = arith.constant 0 : index
      %swap3A_24 = vector.load %arg2[%swap3A, %swap3A_23] : memref<80x128xf32, #tpu.memory_space<vmem>>, vector<80x128xf32>
      tpu.vector_store %arg2[%swap3A, %swap3A_23], %convert_element_type3A_14 {strides = array<i32>} : memref<80x128xf32, #tpu.memory_space<vmem>>, vector<80x128xf32>,
    } else {
    }
    %gt3A = arith.constant 0 : i32
    %gt3A_19 = arith.cmpi sgt, %arg0, %gt3A : i32
    %convert_element_type3A_20 = arith.extui %gt3A_19 : i1 to i32
    %cond3A_21 = arith.constant 0 : i32
    %cond3A_22 = arith.cmpi ne, %convert_element_type3A_20, %cond3A_21 : i32
    scf.if %cond3A_22 {
      %get3A_23 = arith.constant 0 : index
      %get3A_24 = arith.constant 0 : index
      %get3A_25 = vector.load %arg2[%get3A_23, %get3A_24] : memref<80x128xf32, #tpu.memory_space<vmem>>, vector<80x128xf32>
      %add3A = arith.addf %get3A_25, %convert_element_type3A_14 : vector<80x128xf32>
      %swap3A = arith.constant 0 : index
      %swap3A_26 = arith.constant 0 : index
      %swap3A_27 = vector.load %arg2[%swap3A, %swap3A_26] : memref<80x128xf32, #tpu.memory_space<vmem>>, vector<80x128xf32>
      tpu.vector_store %arg2[%swap3A, %swap3A_26], %add3A {strides = array<i32>} : memref<80x128xf32, #tpu.memory_space<vmem>>, vector<80x128xf32>,
    } else {
    }
    return
  }
  func.func @transform_0(%arg0: i32) -> (i32, i32) {
    %c0_i32 = arith.constant 0 : i32
    %c0_i32_0 = arith.constant 0 : i32
    return %arg0, %c0_i32 : i32, i32
  }
  func.func @transform_1(%arg0: i32) -> (i32, i32) {
    %c0_i32 = arith.constant 0 : i32
    %c0_i32_0 = arith.constant 0 : i32
    %c0_i32_1 = arith.constant 0 : i32
    return %c0_i32, %c0_i32_0 : i32, i32
  }
}

module attributes {stable_mosaic.version = 14 : i64} {
  func.func @_tc1_body(%arg0: i32, %arg1: memref<512x128xf32, #tpu.memory_space<vmem>>, %arg2: memref<128x128xf32, #tpu.memory_space<vmem>>, %arg3: memref<512x1xf32, #tpu.memory_space<vmem>>, %arg4: memref<512x128xf32, #tpu.memory_space<vmem>>, %arg5: memref<512x1xf32, #tpu.memory_space<vmem>>) attributes {dimension_semantics = [#tpu.dimension_semantics<arbitrary>], iteration_bounds = array<i64: 20>, scalar_prefetch = 0 : i64, scratch_operands = 0 : i64, tpu.core_type = #tpu.core_type<tc>, window_params = [{transform_indices = @transform_0, window_bounds = array<i64: 512, 128>}, {pipeline_mode = #tpu.pipeline_mode<synchronous>, transform_indices = @transform_1, window_bounds = array<i64: 128, 128>}, {transform_indices = @transform_2, window_bounds = array<i64: 512, 1>}, {transform_indices = @transform_3, window_bounds = array<i64: 512, 128>}, {transform_indices = @transform_4, window_bounds = array<i64: 512, 1>}]} {
    %get3A = arith.constant 0 : index
    %get3A_0 = arith.constant 0 : index
    %get3A_1 = vector.load %arg3[%get3A, %get3A_0] : memref<512x1xf32, #tpu.memory_space<vmem>>, vector<512x1xf32>
    %add3A = arith.constant 1.000000e+00 : f32
    %add3A_2 = vector.broadcast %add3A : f32 to vector<512x1xf32>
    %add3A_3 = arith.addf %get3A_1, %add3A_2 : vector<512x1xf32>
    %rsqrt3A = math.rsqrt %add3A_3 : vector<512x1xf32>
    %get3A_4 = arith.constant 0 : index
    %get3A_5 = arith.constant 0 : index
    %get3A_6 = vector.load %arg1[%get3A_4, %get3A_5] : memref<512x128xf32, #tpu.memory_space<vmem>>, vector<512x128xf32>
    %get3A_7 = arith.constant 0 : index
    %get3A_8 = arith.constant 0 : index
    %get3A_9 = vector.load %arg2[%get3A_7, %get3A_8] : memref<128x128xf32, #tpu.memory_space<vmem>>, vector<128x128xf32>
    %dot_general3A = arith.constant dense<0.000000e+00> : vector<512x128xf32>
    %dot_general3A_10 = tpu.matmul %get3A_6, %get3A_9, %dot_general3A {dimension_numbers = #tpu.dot_dimension_numbers<[1], [0], [0], [1], [0, 0, 1, 1], [], []>, transpose_lhs_hint = false} : vector<512x128xf32>, vector<128x128xf32>, vector<512x128xf32> -> vector<512x128xf32>
    %mul3A = vector.broadcast %rsqrt3A : vector<512x1xf32> to vector<512x128xf32>
    %mul3A_11 = arith.mulf %dot_general3A_10, %mul3A : vector<512x128xf32>
    %swap3A = arith.constant 0 : index
    %swap3A_12 = arith.constant 0 : index
    %swap3A_13 = vector.load %arg4[%swap3A, %swap3A_12] : memref<512x128xf32, #tpu.memory_space<vmem>>, vector<512x128xf32>
    tpu.vector_store %arg4[%swap3A, %swap3A_12], %mul3A_11 {strides = array<i32>} : memref<512x128xf32, #tpu.memory_space<vmem>>, vector<512x128xf32>,
    %swap3A_14 = arith.constant 0 : index
    %swap3A_15 = arith.constant 0 : index
    %swap3A_16 = vector.load %arg5[%swap3A_14, %swap3A_15] : memref<512x1xf32, #tpu.memory_space<vmem>>, vector<512x1xf32>
    tpu.vector_store %arg5[%swap3A_14, %swap3A_15], %rsqrt3A {strides = array<i32>} : memref<512x1xf32, #tpu.memory_space<vmem>>, vector<512x1xf32>,
    return
  }
  func.func @transform_0(%arg0: i32) -> (i32, i32) {
    %c0_i32 = arith.constant 0 : i32
    %c0_i32_0 = arith.constant 0 : i32
    return %arg0, %c0_i32 : i32, i32
  }
  func.func @transform_1(%arg0: i32) -> (i32, i32) {
    %c0_i32 = arith.constant 0 : i32
    %c0_i32_0 = arith.constant 0 : i32
    %c0_i32_1 = arith.constant 0 : i32
    return %c0_i32, %c0_i32_0 : i32, i32
  }
  func.func @transform_2(%arg0: i32) -> (i32, i32) {
    %c0_i32 = arith.constant 0 : i32
    %c0_i32_0 = arith.constant 0 : i32
    return %arg0, %c0_i32 : i32, i32
  }
  func.func @transform_3(%arg0: i32) -> (i32, i32) {
    %c0_i32 = arith.constant 0 : i32
    %c0_i32_0 = arith.constant 0 : i32
    return %arg0, %c0_i32 : i32, i32
  }
  func.func @transform_4(%arg0: i32) -> (i32, i32) {
    %c0_i32 = arith.constant 0 : i32
    %c0_i32_0 = arith.constant 0 : i32
    return %arg0, %c0_i32 : i32, i32
  }
}

module attributes {stable_mosaic.version = 14 : i64} {
  func.func @_tc2_body(%arg0: i32, %arg1: memref<512x128xf32, #tpu.memory_space<vmem>>, %arg2: memref<512x128xf32, #tpu.memory_space<vmem>>, %arg3: memref<512x128xf32, #tpu.memory_space<vmem>>, %arg4: memref<512x1xf32, #tpu.memory_space<vmem>>, %arg5: memref<1x128xf32, #tpu.memory_space<vmem>>, %arg6: memref<128x128xf32, #tpu.memory_space<vmem>>, %arg7: memref<512x128xf32, #tpu.memory_space<vmem>>) attributes {dimension_semantics = [#tpu.dimension_semantics<arbitrary>], iteration_bounds = array<i64: 20>, scalar_prefetch = 0 : i64, scratch_operands = 0 : i64, tpu.core_type = #tpu.core_type<tc>, window_params = [{transform_indices = @transform_0, window_bounds = array<i64: 512, 128>}, {transform_indices = @transform_1, window_bounds = array<i64: 512, 128>}, {transform_indices = @transform_2, window_bounds = array<i64: 512, 128>}, {transform_indices = @transform_3, window_bounds = array<i64: 512, 1>}, {pipeline_mode = #tpu.pipeline_mode<synchronous>, transform_indices = @transform_4, window_bounds = array<i64: 1, 128>}, {pipeline_mode = #tpu.pipeline_mode<synchronous>, transform_indices = @transform_5, window_bounds = array<i64: 128, 128>}, {transform_indices = @transform_6, window_bounds = array<i64: 512, 128>}]} {
    %get3A = arith.constant 0 : index
    %get3A_0 = arith.constant 0 : index
    %get3A_1 = vector.load %arg4[%get3A, %get3A_0] : memref<512x1xf32, #tpu.memory_space<vmem>>, vector<512x1xf32>
    %get3A_2 = arith.constant 0 : index
    %get3A_3 = arith.constant 0 : index
    %get3A_4 = vector.load %arg1[%get3A_2, %get3A_3] : memref<512x128xf32, #tpu.memory_space<vmem>>, vector<512x128xf32>
    %get3A_5 = arith.constant 0 : index
    %get3A_6 = arith.constant 0 : index
    %get3A_7 = vector.load %arg2[%get3A_5, %get3A_6] : memref<512x128xf32, #tpu.memory_space<vmem>>, vector<512x128xf32>
    %add3A = arith.addf %get3A_4, %get3A_7 : vector<512x128xf32>
    %get3A_8 = arith.constant 0 : index
    %get3A_9 = arith.constant 0 : index
    %get3A_10 = vector.load %arg3[%get3A_8, %get3A_9] : memref<512x128xf32, #tpu.memory_space<vmem>>, vector<512x128xf32>
    %add3A_11 = arith.addf %add3A, %get3A_10 : vector<512x128xf32>
    %mul3A = vector.broadcast %get3A_1 : vector<512x1xf32> to vector<512x128xf32>
    %mul3A_12 = arith.mulf %mul3A, %add3A_11 : vector<512x128xf32>
    %get3A_13 = arith.constant 0 : index
    %get3A_14 = arith.constant 0 : index
    %get3A_15 = vector.load %arg5[%get3A_13, %get3A_14] : memref<1x128xf32, #tpu.memory_space<vmem>>, vector<1x128xf32>
    %add3A_16 = vector.broadcast %get3A_15 : vector<1x128xf32> to vector<512x128xf32>
    %add3A_17 = arith.addf %mul3A_12, %add3A_16 : vector<512x128xf32>
    %max3A = arith.constant 0.000000e+00 : f32
    %max3A_18 = vector.broadcast %max3A : f32 to vector<512x128xf32>
    %max3A_19 = arith.maximumf %add3A_17, %max3A_18 : vector<512x128xf32>
    %get3A_20 = arith.constant 0 : index
    %get3A_21 = arith.constant 0 : index
    %get3A_22 = vector.load %arg6[%get3A_20, %get3A_21] : memref<128x128xf32, #tpu.memory_space<vmem>>, vector<128x128xf32>
    %dot_general3A = arith.constant dense<0.000000e+00> : vector<512x128xf32>
    %dot_general3A_23 = tpu.matmul %max3A_19, %get3A_22, %dot_general3A {dimension_numbers = #tpu.dot_dimension_numbers<[1], [0], [0], [1], [0, 0, 1, 1], [], []>, transpose_lhs_hint = false} : vector<512x128xf32>, vector<128x128xf32>, vector<512x128xf32> -> vector<512x128xf32>
    %mul3A_24 = vector.broadcast %get3A_1 : vector<512x1xf32> to vector<512x128xf32>
    %mul3A_25 = arith.mulf %dot_general3A_23, %mul3A_24 : vector<512x128xf32>
    %swap3A = arith.constant 0 : index
    %swap3A_26 = arith.constant 0 : index
    %swap3A_27 = vector.load %arg7[%swap3A, %swap3A_26] : memref<512x128xf32, #tpu.memory_space<vmem>>, vector<512x128xf32>
    tpu.vector_store %arg7[%swap3A, %swap3A_26], %mul3A_25 {strides = array<i32>} : memref<512x128xf32, #tpu.memory_space<vmem>>, vector<512x128xf32>,
    return
  }
  func.func @transform_0(%arg0: i32) -> (i32, i32) {
    %c0_i32 = arith.constant 0 : i32
    %c0_i32_0 = arith.constant 0 : i32
    return %arg0, %c0_i32 : i32, i32
  }
  func.func @transform_1(%arg0: i32) -> (i32, i32) {
    %c0_i32 = arith.constant 0 : i32
    %c0_i32_0 = arith.constant 0 : i32
    return %arg0, %c0_i32 : i32, i32
  }
  func.func @transform_2(%arg0: i32) -> (i32, i32) {
    %c0_i32 = arith.constant 0 : i32
    %c0_i32_0 = arith.constant 0 : i32
    return %arg0, %c0_i32 : i32, i32
  }
  func.func @transform_3(%arg0: i32) -> (i32, i32) {
    %c0_i32 = arith.constant 0 : i32
    %c0_i32_0 = arith.constant 0 : i32
    return %arg0, %c0_i32 : i32, i32
  }
  func.func @transform_4(%arg0: i32) -> (i32, i32) {
    %c0_i32 = arith.constant 0 : i32
    %c0_i32_0 = arith.constant 0 : i32
    %c0_i32_1 = arith.constant 0 : i32
    return %c0_i32, %c0_i32_0 : i32, i32
  }
  func.func @transform_5(%arg0: i32) -> (i32, i32) {
    %c0_i32 = arith.constant 0 : i32
    %c0_i32_0 = arith.constant 0 : i32
    %c0_i32_1 = arith.constant 0 : i32
    return %c0_i32, %c0_i32_0 : i32, i32
  }
  func.func @transform_6(%arg0: i32) -> (i32, i32) {
    %c0_i32 = arith.constant 0 : i32
    %c0_i32_0 = arith.constant 0 : i32
    return %arg0, %c0_i32 : i32, i32
  }
}

module attributes {stable_mosaic.version = 14 : i64} {
  func.func @_tc3_body(%arg0: i32, %arg1: memref<512x128xf32, #tpu.memory_space<vmem>>, %arg2: memref<512x128xf32, #tpu.memory_space<vmem>>, %arg3: memref<512x128xf32, #tpu.memory_space<vmem>>, %arg4: memref<512x1xf32, #tpu.memory_space<vmem>>, %arg5: memref<1x128xf32, #tpu.memory_space<vmem>>, %arg6: memref<128x2xf32, #tpu.memory_space<vmem>>, %arg7: memref<1x2xf32, #tpu.memory_space<vmem>>, %arg8: memref<512x2xf32, #tpu.memory_space<vmem>>) attributes {dimension_semantics = [#tpu.dimension_semantics<arbitrary>], iteration_bounds = array<i64: 20>, scalar_prefetch = 0 : i64, scratch_operands = 0 : i64, tpu.core_type = #tpu.core_type<tc>, window_params = [{transform_indices = @transform_0, window_bounds = array<i64: 512, 128>}, {transform_indices = @transform_1, window_bounds = array<i64: 512, 128>}, {transform_indices = @transform_2, window_bounds = array<i64: 512, 128>}, {transform_indices = @transform_3, window_bounds = array<i64: 512, 1>}, {pipeline_mode = #tpu.pipeline_mode<synchronous>, transform_indices = @transform_4, window_bounds = array<i64: 1, 128>}, {pipeline_mode = #tpu.pipeline_mode<synchronous>, transform_indices = @transform_5, window_bounds = array<i64: 128, 2>}, {pipeline_mode = #tpu.pipeline_mode<synchronous>, transform_indices = @transform_6, window_bounds = array<i64: 1, 2>}, {transform_indices = @transform_7, window_bounds = array<i64: 512, 2>}]} {
    %get3A = arith.constant 0 : index
    %get3A_0 = arith.constant 0 : index
    %get3A_1 = vector.load %arg4[%get3A, %get3A_0] : memref<512x1xf32, #tpu.memory_space<vmem>>, vector<512x1xf32>
    %get3A_2 = arith.constant 0 : index
    %get3A_3 = arith.constant 0 : index
    %get3A_4 = vector.load %arg1[%get3A_2, %get3A_3] : memref<512x128xf32, #tpu.memory_space<vmem>>, vector<512x128xf32>
    %get3A_5 = arith.constant 0 : index
    %get3A_6 = arith.constant 0 : index
    %get3A_7 = vector.load %arg2[%get3A_5, %get3A_6] : memref<512x128xf32, #tpu.memory_space<vmem>>, vector<512x128xf32>
    %add3A = arith.addf %get3A_4, %get3A_7 : vector<512x128xf32>
    %get3A_8 = arith.constant 0 : index
    %get3A_9 = arith.constant 0 : index
    %get3A_10 = vector.load %arg3[%get3A_8, %get3A_9] : memref<512x128xf32, #tpu.memory_space<vmem>>, vector<512x128xf32>
    %add3A_11 = arith.addf %add3A, %get3A_10 : vector<512x128xf32>
    %mul3A = vector.broadcast %get3A_1 : vector<512x1xf32> to vector<512x128xf32>
    %mul3A_12 = arith.mulf %mul3A, %add3A_11 : vector<512x128xf32>
    %get3A_13 = arith.constant 0 : index
    %get3A_14 = arith.constant 0 : index
    %get3A_15 = vector.load %arg5[%get3A_13, %get3A_14] : memref<1x128xf32, #tpu.memory_space<vmem>>, vector<1x128xf32>
    %add3A_16 = vector.broadcast %get3A_15 : vector<1x128xf32> to vector<512x128xf32>
    %add3A_17 = arith.addf %mul3A_12, %add3A_16 : vector<512x128xf32>
    %max3A = arith.constant 0.000000e+00 : f32
    %max3A_18 = vector.broadcast %max3A : f32 to vector<512x128xf32>
    %max3A_19 = arith.maximumf %add3A_17, %max3A_18 : vector<512x128xf32>
    %get3A_20 = arith.constant 0 : index
    %get3A_21 = arith.constant 0 : index
    %get3A_22 = vector.load %arg6[%get3A_20, %get3A_21] : memref<128x2xf32, #tpu.memory_space<vmem>>, vector<128x2xf32>
    %dot_general3A = arith.constant dense<0.000000e+00> : vector<512x2xf32>
    %dot_general3A_23 = tpu.matmul %max3A_19, %get3A_22, %dot_general3A {dimension_numbers = #tpu.dot_dimension_numbers<[1], [0], [0], [1], [0, 0, 1, 1], [], []>, transpose_lhs_hint = false} : vector<512x128xf32>, vector<128x2xf32>, vector<512x2xf32> -> vector<512x2xf32>
    %get3A_24 = arith.constant 0 : index
    %get3A_25 = arith.constant 0 : index
    %get3A_26 = vector.load %arg7[%get3A_24, %get3A_25] : memref<1x2xf32, #tpu.memory_space<vmem>>, vector<1x2xf32>
    %add3A_27 = vector.broadcast %get3A_26 : vector<1x2xf32> to vector<512x2xf32>
    %add3A_28 = arith.addf %dot_general3A_23, %add3A_27 : vector<512x2xf32>
    %swap3A = arith.constant 0 : index
    %swap3A_29 = arith.constant 0 : index
    %swap3A_30 = vector.load %arg8[%swap3A, %swap3A_29] : memref<512x2xf32, #tpu.memory_space<vmem>>, vector<512x2xf32>
    tpu.vector_store %arg8[%swap3A, %swap3A_29], %add3A_28 {strides = array<i32>} : memref<512x2xf32, #tpu.memory_space<vmem>>, vector<512x2xf32>,
    return
  }
  func.func @transform_0(%arg0: i32) -> (i32, i32) {
    %c0_i32 = arith.constant 0 : i32
    %c0_i32_0 = arith.constant 0 : i32
    return %arg0, %c0_i32 : i32, i32
  }
  func.func @transform_1(%arg0: i32) -> (i32, i32) {
    %c0_i32 = arith.constant 0 : i32
    %c0_i32_0 = arith.constant 0 : i32
    return %arg0, %c0_i32 : i32, i32
  }
  func.func @transform_2(%arg0: i32) -> (i32, i32) {
    %c0_i32 = arith.constant 0 : i32
    %c0_i32_0 = arith.constant 0 : i32
    return %arg0, %c0_i32 : i32, i32
  }
  func.func @transform_3(%arg0: i32) -> (i32, i32) {
    %c0_i32 = arith.constant 0 : i32
    %c0_i32_0 = arith.constant 0 : i32
    return %arg0, %c0_i32 : i32, i32
  }
  func.func @transform_4(%arg0: i32) -> (i32, i32) {
    %c0_i32 = arith.constant 0 : i32
    %c0_i32_0 = arith.constant 0 : i32
    %c0_i32_1 = arith.constant 0 : i32
    return %c0_i32, %c0_i32_0 : i32, i32
  }
  func.func @transform_5(%arg0: i32) -> (i32, i32) {
    %c0_i32 = arith.constant 0 : i32
    %c0_i32_0 = arith.constant 0 : i32
    %c0_i32_1 = arith.constant 0 : i32
    return %c0_i32, %c0_i32_0 : i32, i32
  }
  func.func @transform_6(%arg0: i32) -> (i32, i32) {
    %c0_i32 = arith.constant 0 : i32
    %c0_i32_0 = arith.constant 0 : i32
    %c0_i32_1 = arith.constant 0 : i32
    return %c0_i32, %c0_i32_0 : i32, i32
  }
  func.func @transform_7(%arg0: i32) -> (i32, i32) {
    %c0_i32 = arith.constant 0 : i32
    %c0_i32_0 = arith.constant 0 : i32
    return %arg0, %c0_i32 : i32, i32
  }
}

</mosaic_0001>

<sc_bundles>
// kernel: kernel.11.cloned.1.call-start
scs
__scs_entry_jumppad:
0x0: {  	(pc) =	sbr.rel $0x88, $3  }
0x1: {  	(tag) =	ssettag $0x0;
	lr =	simm.s32 $0x1  }
0x2: {  	[smem:$0x3F99] =	sst lr;
	_ =	strace $0xD0000000  }
0x3: {  	_ = 	snop  }
0x4: {  	_ = 	snop  }
0x5: {  	_ = 	snop  }
0x6: {  	_ = 	snop  }
0x7: {  	_ = 	snop  }
__scs_overlays_trampoline_lowered:
0x8: {  	[smem:$0x3FA8] =	sst s0  }
0x9: {  	[smem:$0x3FA9] =	sst s1  }
0xa: {  	[smem:$0x3FAA] =	sst s2  }
0xb: {  	[smem:$0x3FAB] =	sst s3  }
0xc: {  	[smem:$0x3FAC] =	sst s4  }
0xd: {  	[smem:$0x3FAD] =	sst s5  }
0xe: {  	[smem:$0x3FAE] =	sst s6  }
0xf: {  	[smem:$0x3FAF] =	sst s7  }
0x10: {  	[smem:$0x3FB0] =	sst s8  }
0x11: {  	[smem:$0x3FB1] =	sst s9;
	s0 =	simm.s32 @!p0 $0x0  }
0x12: {  	s1 =	sld [smem:$0x3F97];
	s0 =	simm.s32 @p0 $0x1  }
0x13: {  	[smem:$0x3FB2] =	sst s0;
	s0 =	simm.s32 @!p1 $0x0  }
0x14: {  	s2 =	sld [smem:$0x3F96];
	s0 =	simm.s32 @p1 $0x1  }
0x15: {  	[smem:$0x3FB3] =	sst s0;
	s0 =	simm.s32 @!p2 $0x0  }
0x16: {  	s3 =	sld [smem:$0x3FDB];
	s0 =	simm.s32 @p2 $0x1  }
0x17: {  	s4 =	simm.s32 $0x1BF5;
	[smem:$0x3FB5] =	sst s0  }
0x18: {  	s0 =	sld [smem:$0x3F98];
	_ =	swait.ge [sflag:s4], $0x0  }
0x19: {  	s7 =	sld [smem:$0x3F99]  }
0x1a: {  	s8 =	sadd.s32 $0xFFFFE003, lr  }
0x1b: {  	s9 =	sadd.s32 $0xFFFFFEF7, lr;
	s5 =	simm.s32 $0xFFFFFFFF;
	p2 =	slt.u32 s8, $0xFFFFF086  }
0x1c: {  	p1 =	slt.u32 s9, $0xF7A;
	s5 =	simm.s32 @!p2 $0x0  }
0x1d: {  	s5 =	simm.s32 @p1 $0x1;
	p0 =	seq.s32 s7, s2  }
0x1e: {  	s7 =	smul.u32 @!p0 $0xF7A, s2;
	p2 =	seq.s32 @!p0 s5, $0x0  }
0x1f: {  	s9 =	smul.u32 $0xF7A, s1;
	s8 =	simm.s32 @!p0 $0x1BF5;
	p2 =	por !p2, p0  }
0x20: {  	[sflag:s8] =	ssyncset.s32 @!p0 $0xFFFFF086;
	s6 =	sadd.s32 @!p0 s3, s7;
	s7 =	simm.s32 @!p0 $0x108  }
0x21: {  	s3 =	sadd.s32 s3, s9;
	s6 =	sadd.s32 @!p0 $0x88, s6;
	s7 =	simm.s32 @p2 $0x1082  }
0x22: {  	[simem:s7], [sflag:s8] =	dma.local @!p0 [hbm:s6], $0xF7A  }
0x23: {  	s9 =	sor.u32 $0xD0000000, s2;
	s6 =	simm.s32 $0x108;
	_ =	swait.ge @!p0 [sflag:s8], $0x0  }
0x24: {  	s3 =	sadd.s32 $0x88, s3;
	s6 =	simm.s32 @!p1 $0x1082;
	[sflag:s4] =	ssyncset.s32 $0xFFFFF086  }
0x25: {  	[simem:s6], [sflag:s4] =	dma.local [hbm:s3], $0xF7A  }
0x26: {  	[smem:$0x3F99] =	sst s1;
	(tag) =	ssettag s2;
	_ =	strace s9  }
0x27: {  	s1 =	sld [smem:$0x3FA9]  }
0x28: {  	s2 =	sld [smem:$0x3FAA]  }
0x29: {  	s4 =	sld [smem:$0x3FAC]  }
0x2a: {  	p0 =	seq.s32 s5, $0x0;
	s5 =	sld [smem:$0x3FAD]  }
0x2b: {  	s6 =	sld [smem:$0x3FAE]  }
0x2c: {  	s7 =	sld [smem:$0x3FAF]  }
0x2d: {  	s3 =	simm.s32 $0x108;
	s8 =	sld [smem:$0x3FB0]  }
0x2e: {  	s3 =	simm.s32 @!p0 $0x1082;
	s9 =	sld [smem:$0x3FB1]  }
0x2f: {  	lr =	sadd.s32 s0, s3;
	s0 =	sld [smem:$0x3FA8]  }
0x30: {  	s3 =	sld [smem:$0x3FAB]  }
0x31: {  	[smem:$0x3FB4] =	sst s10  }
0x32: {  	s10 =	sld [smem:$0x3FB2];
	_ =	sdelay $0x3  }
0x33: {  	p0 =	seq.s32 s10, $0x1;
	s10 =	sld [smem:$0x3FB4];
	_ =	sdelay $0x3  }
0x34: {  	[smem:$0x3FB4] =	sst s10  }
0x35: {  	s10 =	sld [smem:$0x3FB3];
	_ =	sdelay $0x3  }
0x36: {  	p1 =	seq.s32 s10, $0x1;
	s10 =	sld [smem:$0x3FB4];
	_ =	sdelay $0x3  }
0x37: {  	[smem:$0x3FB4] =	sst s10  }
0x38: {  	s10 =	sld [smem:$0x3FB5]  }
0x39: {  	_ = 	snop;
	(pc) =	sbr.ind lr, $3  }
0x3a: {  	_ = 	snop  }
0x3b: {  	_ = 	snop  }
0x3c: {  	p2 =	seq.s32 s10, $0x1;
	s10 =	sld [smem:$0x3FB4]  }
0x3d: {  	_ =	shalt  }
0x3e: {  	_ =	shalt  }
0x3f: {  	_ =	shalt  }
0x40: {  	_ =	shalt  }
0x41: {  	_ =	shalt  }
0x42: {  	_ =	shalt  }
0x43: {  	_ =	shalt  }
0x44: {  	_ =	shalt  }
0x45: {  	_ =	shalt  }
0x46: {  	_ =	shalt  }
0x47: {  	_ =	shalt  }
0x48: {  	_ =	shalt  }
0x49: {  	_ =	shalt  }
0x4a: {  	_ =	shalt  }
0x4b: {  	_ =	shalt  }
0x4c: {  	_ =	shalt  }
0x4d: {  	_ =	shalt  }
0x4e: {  	_ =	shalt  }
0x4f: {  	_ =	shalt  }
0x50: {  	_ =	shalt  }
0x51: {  	_ =	shalt  }
0x52: {  	_ =	shalt  }
0x53: {  	_ =	shalt  }
0x54: {  	_ =	shalt  }
0x55: {  	_ =	shalt  }
0x56: {  	_ =	shalt  }
0x57: {  	_ =	shalt  }
0x58: {  	_ =	shalt  }
0x59: {  	_ =	shalt  }
0x5a: {  	_ =	shalt  }
0x5b: {  	_ =	shalt  }
0x5c: {  	_ =	shalt  }
0x5d: {  	_ =	shalt  }
0x5e: {  	_ =	shalt  }
0x5f: {  	_ =	shalt  }
0x60: {  	_ =	shalt  }
0x61: {  	_ =	shalt  }
0x62: {  	_ =	shalt  }
0x63: {  	_ =	shalt  }
0x64: {  	_ =	shalt  }
0x65: {  	_ =	shalt  }
0x66: {  	_ =	shalt  }
0x67: {  	_ =	shalt  }
0x68: {  	_ =	shalt  }
0x69: {  	_ =	shalt  }
0x6a: {  	_ =	shalt  }
0x6b: {  	_ =	shalt  }
0x6c: {  	_ =	shalt  }
0x6d: {  	_ =	shalt  }
0x6e: {  	_ =	shalt  }
0x6f: {  	_ =	shalt  }
0x70: {  	_ =	shalt  }
0x71: {  	_ =	shalt  }
0x72: {  	_ =	shalt  }
0x73: {  	_ =	shalt  }
0x74: {  	_ =	shalt  }
0x75: {  	_ =	shalt  }
0x76: {  	_ =	shalt  }
0x77: {  	_ =	shalt  }
0x78: {  	_ =	shalt  }
0x79: {  	_ =	shalt  }
0x7a: {  	_ =	shalt  }
0x7b: {  	_ =	shalt  }
0x7c: {  	_ =	shalt  }
0x7d: {  	_ =	shalt  }
0x7e: {  	_ =	shalt  }
0x7f: {  	_ =	shalt  }
0x80: {  	_ =	shalt  }
0x81: {  	_ =	shalt  }
0x82: {  	_ =	shalt  }
0x83: {  	_ =	shalt  }
0x84: {  	_ =	shalt  }
0x85: {  	_ =	shalt  }
0x86: {  	_ =	shalt  }
0x87: {  	_ =	shalt  }
.Lfunc_end0:
.L_simem_size_0:
called_computation.1_lowered:
.L_overlay_start_0:
0x88: {  	s2 =	sld [smem:$0x3FD9]  }
0x89: {  	s3 =	sld [smem:$0x3FFE];
	_ =	sdelay $0x1  }
0x8a: {  	s1 =	srdreg.scid  }
0x8b: {  	s0 =	sand.u32 $0x1, s1  }
0x8c: {  	s16 =	sshll.u32 s0, $0xA;
	s2 =	sadd.s32 s3, s2  }
0x8d: {  	s2 =	sadd.s32 s2, s16  }
0x8e: {  	[smem:$0x3FC0] =	sst s2  }
0x8f: {  	_ = 	snop  }
0x90: {  	(tm) =	ssettm $0x1  }
0x91: {  	s17 =	sld [smem:$0x3FFB];
	_ =	sdelay $0x3  }
0x92: {  	_ =	strace s17  }
0x93: {  	s2 =	sld [smem:$0x3FFC];
	_ =	sdelay $0x3  }
0x94: {  	_ =	strace s2  }
0x95: {  	s2 =	sld [smem:$0x3FFD];
	_ =	sdelay $0x3  }
0x96: {  	_ =	strace s2  }
0x97: {  	_ =	strace $0x8FFFFFFF  }
0x98: {  	s18 =	sld [smem:$0x3FDB];
	_ =	sdelay $0x1  }
0x99: {  	s19 =	simm.s32 $_scs_section_size  }
0x9a: {  	s4 =	simm.s32 $_size__tile_overlayer_lowered;
	s5 =	simm.s32 $_tile_overlayer_lowered  }
0x9b: {  	s22 =	simm.s32 $0x1BFF;
	s21 =	sshll.u32 s5, $0x1;
	s2 =	sadd.s32 s19, s18  }
0x9c: {  	s6 =	simm.s32 $0x0;
	s20 =	sshll.u32 s4, $0x1;
	s4 =	sadd.s32 s21, s2  }
0x9d: {  	[timem:s6], [sflag:s22] =	dma.local [hbm:s4], s20  }
0x9e: {  	_ =	swait.ge [sflag:s22], s20  }
0x9f: {  	s3 =	ssub.s32 $0x0, s20;
	[sflag:s22] =	ssyncset.done $0x0  }
0xa0: {  	[sflag:s22] =	ssyncadd.s32 s3;
	_ =	sdelay $0x1  }
0xa1: {  	s23 =	simm.s32 $0x1B8B  }
0xa2: {  	_ =	swait.ge [sflag:s23], $0x1  }
0xa3: {  	[sflag:s23] =	ssyncset.done $0x0  }
0xa4: {  	s25 =	simm.s32 $0x1B8E;
	s24 =	sld [smem:$0x3FFE];
	[sflag:s23] =	ssyncadd.s32 $0xFFFFFFFF  }
0xa5: {  	s26 =	simm.s32 $execute0_lowered;
	[smem:$0x3FD2] =	sst s25  }
0xa6: {  	s4 =	sshll.u32 s26, $0x1;
	_ =	strace $0x80000049;
	[dreg:$0x1] =	wrdreg $0xFFFFFFFF  }
0xa7: {  	s28 =	simm.s32 $_size_execute0_lowered;
	s2 =	sadd.s32 s2, s4;
	[dreg:$0x0] =	wrdreg $0x0  }
0xa8: {  	s4 =	sshll.u32 s28, $0x1;
	[dreg:$0x2] =	wrdreg s2  }
0xa9: {  	[dreg:$0x3] =	wrdreg s4  }
0xaa: {  	[dreg:$0x4] =	wrdreg $0xC0  }
0xab: {  	_ =	task [dreg:s6], $0x5FFFF  }
0xac: {  	[dreg:$0x1] =	wrdreg $0xFFFFFFFF  }
0xad: {  	[dreg:$0x0] =	wrdreg $0x60  }
0xae: {  	[dreg:$0x2] =	wrdreg s24  }
0xaf: {  	[dreg:$0x3] =	wrdreg $0xA8000  }
0xb0: {  	[dreg:$0x4] =	wrdreg $0x9  }
0xb1: {  	_ =	task.clear_ibuf [dreg:s6], $0x5FFFF;
	_ =	strace $0x90000049  }
0xb2: {  	s29 =	simm.s32 $0x9;
	_ =	strace $0x8000004B  }
0xb3: {  	_ =	swait.ge [sflag:s29], $0x1  }
0xb4: {  	[sflag:s29] =	ssyncadd.s32 $0xFFFFFFFF  }
0xb5: {  	_ =	strace $0x9000004B  }
0xb6: {  	_ =	sfence  }
0xb7: {  	s30 =	sld [smem:$0x0];
	_ =	sdelay $0x2  }
0xb8: {  	s31 =	sshll.u32 s1, $0xD;
	s1 =	sshrl.u32 s1, $0x2  }
0xb9: {  	s3 =	sand.u32 $0x4000, s31;
	s1 =	sadd.s32 s1, s30  }
0xba: {  	s0 =	sor.u32 s3, s0;
	s1 =	sshll.u32 s1, $0x11  }
0xbb: {  	s0 =	sor.u32 s1, s0  }
0xbc: {  	s0 =	sadd.s32 $0x8F2B, s0  }
0xbd: {  	[sflag:s0] =	ssyncadd.remote.s32 $0x1  }
0xbe: {  	_ =	sfence.sel $0xFFFF  }
0xbf: {  	[dreg:$0x0] =	wrdreg $0xFFFFFFFF;
	(pc) =	sbr.abs _section_cstart, $3  }
0xc0: {  	[dreg:$0x1] =	wrdreg $0xFFFFFFFF  }
0xc1: {  	_ =	task.clear_ibuf [dreg:s6], $0x2FFFF;
	_ =	strace $0x9FFFFFFF  }
0xc2: {  	(tm) =	ssettm $0x7FFFFFFF  }
0xc3: {  	_ =	shalt  }
tec
execute0_lowered:
.L_overlay_start_1:
0x0: {  	(tag) =	ssettag $0x1  }
0x1: {  	s6 =	rddreg [dreg:$0x0]  }
0x2: {  	s1 =	rddreg [dreg:$0x1]  }
0x3: {  	s2 =	srdreg.scid;
	s0 =	rddreg [dreg:$0x2]  }
0x4: {  	s3 =	simm.s32 $0x0;
	s16 =	simm.s32 $0x1;
	s17 =	simm.s32 $0x80  }
0x5: {  	s18 =	simm.s32 $0x2800;
	s19 =	simm.s32 $0x6800;
	s20 =	simm.s32 $0x1380  }
0x6: {  	s21 =	simm.s32 $0x2700;
	s22 =	simm.s32 $0x2780;
	s23 =	simm.s32 $0x0  }
0x7: {  	s7 =	sand.u32 $0x1, s2;
	s2 =	stileid.u32;
	[smem:$0x7FF] =	sst s3  }
0x8: {  	s4 =	sadd.s32 $0x17200, s6;
	s10 =	sadd.s32 $0xD200, s6;
	s8 =	smul.u32 $0x140000, s7  }
0x9: {  	s11 =	sadd.s32 $0x3200, s6;
	s5 =	sadd.s32 $0x67200, s6;
	s9 =	smul.u32 $0x14000, s2  }
0xa: {  	_ =	strace $0x8000004A;
	s24 =	ssub.s32 $0x2, s7;
	s7 =	sshll.u32 s7, $0x4  }
0xb: {  	s13 =	smul.u32 $0x50000, s2;
	s28 =	sshll.u32 s2, $0x6;
	s7 =	sor.u32 s2, s7  }
0xc: {  	s12 =	sshrl.u32 s24, $0x1;
	s8 =	sadd.s32 s9, s8;
	s25 =	smul.u32 $0x2800, s7  }
0xd: {  	s12 =	ssub.s32 s24, s12;
	s26 =	sshrl.u32 s13, $0x2;
	s29 =	smul.u32 $0x500, s7  }
0xe: {  	s8 =	sshrl.u32 s8, $0x3;
	s15 =	sadd.s32 s26, s1;
	s12 =	smax.u32 s12, $0x1  }
0xf: {  	s14 =	sadd.s32 s8, s6;
	s6 =	sor.u32 $0x1C02, s28;
	s30 =	sshrl.u32 s25, $0x3  }
0x10: {  	s7 =	sadd.s32 s10, s29;
	s8 =	sadd.s32 s11, s29;
	s31 =	sadd.s32 $0x280, s30  }
0x11: {  	s13 =	sshrl.u32 s15, $0x3;
	s15 =	simm.s32 $0x1400;
	s9 =	sadd.s32 s10, s31  }
0x12: {  	s10 =	sadd.s32 s11, s31;
	s11 =	sadd.s32 $0x69A00, s14;
	s14 =	simm.s32 $0x2  }
.LBB2_1:
0x13: {  	[spmem:s13], [sflag:s6] =	dma.local [hbm:s5], $0x2800  }
0x14: {  	_ =	swait.ge [sflag:s14], $0x2800  }
0x15: {  	[sflag:s14] =	ssyncset.done $0x0  }
0x16: {  	[sflag:s14] =	ssyncadd.s32 $0xFFFFD800  }
0x17: {  	[bflag:$0x0] =	sbarrier.arrive $0xFFFF  }
0x18: {  	[tilespmem:s3], [sflag:$0x1] =	stream.linear.gather [hbm4b:s7+s3], $0x1400, $0x38;
	[tilespmem:$0x1E800] =	vst v63  }
0x19: {  	_ = 	snop  }
0x1a: {  	[tilespmem:s15], [sflag:$0x1] =	stream.linear.gather [hbm4b:s8+s3], $0x1400, $0x38;
	[tilespmem:$0x1E800] =	vst v63  }
0x1b: {  	_ =	swait.ge [sflag:s16], $0x1400  }
0x1c: {  	[sflag:s16] =	ssyncset.done $0x0  }
0x1d: {  	[sflag:s16] =	ssyncadd.s32 $0xFFFFEC00  }
0x1e: {  	_ =	swait.ge [sflag:s16], $0x1400  }
0x1f: {  	[sflag:s16] =	ssyncset.done $0x0  }
0x20: {  	[sflag:s16] =	ssyncadd.s32 $0xFFFFEC00  }
0x21: {  	[tilespmem:s18], [sflag:$0x1] =	stream.indirect.gather [hbm4b:s4+s17], $0x80, s3, s17, $0xb8;
	[tilespmem:$0x1E800] =	vst v63  }
0x22: {  	_ =	swait.ge [sflag:s16], $0x4000  }
0x23: {  	[sflag:s16] =	ssyncset.done $0x0  }
0x24: {  	s24 =	simm.s32 $0x80;
	[sflag:s16] =	ssyncadd.s32 $0xFFFFC000  }
0x25: {  	[tilespmem:s19], [sflag:$0x1] =	stream.indirect.gather [hbm4b:s4+s17], $0x80, s24, s17, $0xb8;
	[tilespmem:$0x1E800] =	vst v63  }
0x26: {  	s29 =	simm.s32 $0x1400  }
0x27: {  	[spmem:s1] =	stream.indirect.scatter.add.f32 [tilespmem:s18], [sflag:$0x2], $0x80, s29, s17, $0xb8;
	[tilespmem:$0x1E800] =	vst v63  }
0x28: {  	_ =	swait.ge [sflag:s14], $0x4000  }
0x29: {  	[sflag:s14] =	ssyncset.done $0x0  }
0x2a: {  	[sflag:s14] =	ssyncadd.s32 $0xFFFFC000  }
0x2b: {  	_ =	swait.ge [sflag:s16], $0x4000  }
0x2c: {  	[sflag:s16] =	ssyncset.done $0x0  }
0x2d: {  	s30 =	simm.s32 $0x100;
	[sflag:s16] =	ssyncadd.s32 $0xFFFFC000  }
0x2e: {  	[tilespmem:s18], [sflag:$0x1] =	stream.indirect.gather [hbm4b:s4+s17], $0x80, s30, s17, $0xb8;
	[tilespmem:$0x1E800] =	vst v63  }
0x2f: {  	s31 =	simm.s32 $0x1480  }
0x30: {  	[spmem:s1] =	stream.indirect.scatter.add.f32 [tilespmem:s19], [sflag:$0x2], $0x80, s31, s17, $0xb8;
	[tilespmem:$0x1E800] =	vst v63  }
0x31: {  	_ =	swait.ge [sflag:s14], $0x4000  }
0x32: {  	s24 =	simm.s32 $0x400;
	[sflag:s14] =	ssyncset.done $0x0  }
.LBB2_2:
0x33: {  	p0 =	sne.s32 s24, $0x4800  }
0x34: {  	[sflag:s14] =	ssyncadd.s32 $0xFFFFC000;
	s25 =	smov.u32 s24;
	s24 =	sadd.s32 $0x400, s24  }
0x35: {  	_ = 	snop  }
0x36: {  	_ =	swait.ge [sflag:s16], $0x4000  }
0x37: {  	s25 =	sshra.s32 s25, $0x2;
	[sflag:s16] =	ssyncset.done $0x0  }
0x38: {  	s26 =	sadd.s32 $0x80, s25;
	[sflag:s16] =	ssyncadd.s32 $0xFFFFC000  }
0x39: {  	[tilespmem:s19], [sflag:$0x1] =	stream.indirect.gather [hbm4b:s4+s17], $0x80, s26, s17, $0xb8;
	[tilespmem:$0x1E800] =	vst v63  }
0x3a: {  	s26 =	sadd.s32 $0x1400, s25  }
0x3b: {  	[spmem:s1] =	stream.indirect.scatter.add.f32 [tilespmem:s18], [sflag:$0x2], $0x80, s26, s17, $0xb8;
	[tilespmem:$0x1E800] =	vst v63  }
0x3c: {  	_ =	swait.ge [sflag:s14], $0x4000  }
0x3d: {  	[sflag:s14] =	ssyncset.done $0x0  }
0x3e: {  	[sflag:s14] =	ssyncadd.s32 $0xFFFFC000  }
0x3f: {  	_ =	swait.ge [sflag:s16], $0x4000  }
0x40: {  	[sflag:s16] =	ssyncset.done $0x0  }
0x41: {  	s26 =	sadd.s32 $0x100, s25;
	[sflag:s16] =	ssyncadd.s32 $0xFFFFC000  }
0x42: {  	[tilespmem:s18], [sflag:$0x1] =	stream.indirect.gather [hbm4b:s4+s17], $0x80, s26, s17, $0xb8;
	[tilespmem:$0x1E800] =	vst v63  }
.Ltmp0:
0x43: {  	_ = 	snop;
	(pc) =	sbr.rel @p0 .LBB2_2-.Ltmp0, $4  }
0x44: {  	s25 =	sadd.s32 $0x1480, s25  }
0x45: {  	[spmem:s1] =	stream.indirect.scatter.add.f32 [tilespmem:s19], [sflag:$0x2], $0x80, s25, s17, $0xb8;
	[tilespmem:$0x1E800] =	vst v63  }
0x46: {  	_ =	swait.ge [sflag:s14], $0x4000  }
0x47: {  	[sflag:s14] =	ssyncset.done $0x0  }
0x48: {  	[sflag:s14] =	ssyncadd.s32 $0xFFFFC000  }
0x49: {  	_ =	swait.ge [sflag:s16], $0x4000  }
0x4a: {  	[sflag:s16] =	ssyncset.done $0x0  }
0x4b: {  	[sflag:s16] =	ssyncadd.s32 $0xFFFFC000  }
0x4c: {  	[tilespmem:s19], [sflag:$0x1] =	stream.indirect.gather [hbm4b:s4+s17], $0x80, s20, s17, $0xb8;
	[tilespmem:$0x1E800] =	vst v63  }
0x4d: {  	_ = 	snop  }
0x4e: {  	[spmem:s1] =	stream.indirect.scatter.add.f32 [tilespmem:s18], [sflag:$0x2], $0x80, s21, s17, $0xb8;
	[tilespmem:$0x1E800] =	vst v63  }
0x4f: {  	_ =	swait.ge [sflag:s14], $0x4000  }
0x50: {  	[sflag:s14] =	ssyncset.done $0x0  }
0x51: {  	[sflag:s14] =	ssyncadd.s32 $0xFFFFC000  }
0x52: {  	_ =	swait.ge [sflag:s16], $0x4000  }
0x53: {  	[sflag:s16] =	ssyncset.done $0x0  }
0x54: {  	[sflag:s16] =	ssyncadd.s32 $0xFFFFC000  }
0x55: {  	[spmem:s1] =	stream.indirect.scatter.add.f32 [tilespmem:s19], [sflag:$0x2], $0x80, s22, s17, $0xb8;
	[tilespmem:$0x1E800] =	vst v63  }
0x56: {  	_ =	swait.ge [sflag:s14], $0x4000  }
0x57: {  	[sflag:s14] =	ssyncset.done $0x0  }
0x58: {  	s24 =	simm.s32 $0x0;
	[sflag:s14] =	ssyncadd.s32 $0xFFFFC000  }
0x59: {  	[tilespmem:s24], [sflag:$0x1] =	stream.linear.gather [hbm4b:s9+s24], $0x1400, $0x38;
	[tilespmem:$0x1E800] =	vst v63  }
0x5a: {  	_ = 	snop  }
0x5b: {  	[tilespmem:s15], [sflag:$0x1] =	stream.linear.gather [hbm4b:s10+s24], $0x1400, $0x38;
	[tilespmem:$0x1E800] =	vst v63  }
0x5c: {  	_ =	swait.ge [sflag:s16], $0x1400  }
0x5d: {  	[sflag:s16] =	ssyncset.done $0x0  }
0x5e: {  	[sflag:s16] =	ssyncadd.s32 $0xFFFFEC00  }
0x5f: {  	_ =	swait.ge [sflag:s16], $0x1400  }
0x60: {  	[sflag:s16] =	ssyncset.done $0x0  }
0x61: {  	[sflag:s16] =	ssyncadd.s32 $0xFFFFEC00  }
0x62: {  	[tilespmem:s18], [sflag:$0x1] =	stream.indirect.gather [hbm4b:s4+s17], $0x80, s24, s17, $0xb8;
	[tilespmem:$0x1E800] =	vst v63  }
0x63: {  	_ =	swait.ge [sflag:s16], $0x4000  }
0x64: {  	[sflag:s16] =	ssyncset.done $0x0  }
0x65: {  	s28 =	simm.s32 $0x80;
	[sflag:s16] =	ssyncadd.s32 $0xFFFFC000  }
0x66: {  	[tilespmem:s19], [sflag:$0x1] =	stream.indirect.gather [hbm4b:s4+s17], $0x80, s28, s17, $0xb8;
	[tilespmem:$0x1E800] =	vst v63  }
0x67: {  	s29 =	simm.s32 $0x1400  }
0x68: {  	[spmem:s1] =	stream.indirect.scatter.add.f32 [tilespmem:s18], [sflag:$0x2], $0x80, s29, s17, $0xb8;
	[tilespmem:$0x1E800] =	vst v63  }
0x69: {  	_ =	swait.ge [sflag:s14], $0x4000  }
0x6a: {  	[sflag:s14] =	ssyncset.done $0x0  }
0x6b: {  	[sflag:s14] =	ssyncadd.s32 $0xFFFFC000  }
0x6c: {  	_ =	swait.ge [sflag:s16], $0x4000  }
0x6d: {  	[sflag:s16] =	ssyncset.done $0x0  }
0x6e: {  	s30 =	simm.s32 $0x100;
	[sflag:s16] =	ssyncadd.s32 $0xFFFFC000  }
0x6f: {  	[tilespmem:s18], [sflag:$0x1] =	stream.indirect.gather [hbm4b:s4+s17], $0x80, s30, s17, $0xb8;
	[tilespmem:$0x1E800] =	vst v63  }
0x70: {  	s31 =	simm.s32 $0x1480  }
0x71: {  	[spmem:s1] =	stream.indirect.scatter.add.f32 [tilespmem:s19], [sflag:$0x2], $0x80, s31, s17, $0xb8;
	[tilespmem:$0x1E800] =	vst v63  }
0x72: {  	_ =	swait.ge [sflag:s14], $0x4000  }
0x73: {  	s24 =	simm.s32 $0x400;
	[sflag:s14] =	ssyncset.done $0x0  }
.LBB2_4:
0x74: {  	p0 =	sne.s32 s24, $0x4800  }
0x75: {  	[sflag:s14] =	ssyncadd.s32 $0xFFFFC000;
	s25 =	smov.u32 s24;
	s24 =	sadd.s32 $0x400, s24  }
0x76: {  	_ = 	snop  }
0x77: {  	_ =	swait.ge [sflag:s16], $0x4000  }
0x78: {  	s25 =	sshra.s32 s25, $0x2;
	[sflag:s16] =	ssyncset.done $0x0  }
0x79: {  	s26 =	sadd.s32 $0x80, s25;
	[sflag:s16] =	ssyncadd.s32 $0xFFFFC000  }
0x7a: {  	[tilespmem:s19], [sflag:$0x1] =	stream.indirect.gather [hbm4b:s4+s17], $0x80, s26, s17, $0xb8;
	[tilespmem:$0x1E800] =	vst v63  }
0x7b: {  	s26 =	sadd.s32 $0x1400, s25  }
0x7c: {  	[spmem:s1] =	stream.indirect.scatter.add.f32 [tilespmem:s18], [sflag:$0x2], $0x80, s26, s17, $0xb8;
	[tilespmem:$0x1E800] =	vst v63  }
0x7d: {  	_ =	swait.ge [sflag:s14], $0x4000  }
0x7e: {  	[sflag:s14] =	ssyncset.done $0x0  }
0x7f: {  	[sflag:s14] =	ssyncadd.s32 $0xFFFFC000  }
0x80: {  	_ =	swait.ge [sflag:s16], $0x4000  }
0x81: {  	[sflag:s16] =	ssyncset.done $0x0  }
0x82: {  	s26 =	sadd.s32 $0x100, s25;
	[sflag:s16] =	ssyncadd.s32 $0xFFFFC000  }
0x83: {  	[tilespmem:s18], [sflag:$0x1] =	stream.indirect.gather [hbm4b:s4+s17], $0x80, s26, s17, $0xb8;
	[tilespmem:$0x1E800] =	vst v63  }
.Ltmp1:
0x84: {  	_ = 	snop;
	(pc) =	sbr.rel @p0 .LBB2_4-.Ltmp1, $4  }
0x85: {  	s25 =	sadd.s32 $0x1480, s25  }
0x86: {  	[spmem:s1] =	stream.indirect.scatter.add.f32 [tilespmem:s19], [sflag:$0x2], $0x80, s25, s17, $0xb8;
	[tilespmem:$0x1E800] =	vst v63  }
0x87: {  	_ =	swait.ge [sflag:s14], $0x4000  }
0x88: {  	[sflag:s14] =	ssyncset.done $0x0  }
0x89: {  	[sflag:s14] =	ssyncadd.s32 $0xFFFFC000  }
0x8a: {  	_ =	swait.ge [sflag:s16], $0x4000  }
0x8b: {  	[sflag:s16] =	ssyncset.done $0x0  }
0x8c: {  	[sflag:s16] =	ssyncadd.s32 $0xFFFFC000  }
0x8d: {  	[tilespmem:s19], [sflag:$0x1] =	stream.indirect.gather [hbm4b:s4+s17], $0x80, s20, s17, $0xb8;
	[tilespmem:$0x1E800] =	vst v63  }
0x8e: {  	_ = 	snop  }
0x8f: {  	[spmem:s1] =	stream.indirect.scatter.add.f32 [tilespmem:s18], [sflag:$0x2], $0x80, s21, s17, $0xb8;
	[tilespmem:$0x1E800] =	vst v63  }
0x90: {  	_ =	swait.ge [sflag:s14], $0x4000  }
0x91: {  	[sflag:s14] =	ssyncset.done $0x0  }
0x92: {  	[sflag:s14] =	ssyncadd.s32 $0xFFFFC000  }
0x93: {  	_ =	swait.ge [sflag:s16], $0x4000  }
0x94: {  	[sflag:s16] =	ssyncset.done $0x0  }
0x95: {  	[sflag:s16] =	ssyncadd.s32 $0xFFFFC000  }
0x96: {  	[spmem:s1] =	stream.indirect.scatter.add.f32 [tilespmem:s19], [sflag:$0x2], $0x80, s22, s17, $0xb8;
	[tilespmem:$0x1E800] =	vst v63  }
0x97: {  	_ =	swait.ge [sflag:s14], $0x4000  }
0x98: {  	s23 =	sadd.s32 $0x1, s23;
	[sflag:s14] =	ssyncset.done $0x0  }
0x99: {  	p0 =	sne.s32 s23, s12;
	[sflag:s14] =	ssyncadd.s32 $0xFFFFC000  }
.Ltmp2:
0x9a: {  	[bflag:$0x0] =	sbarrier.arrive $0xFFFF;
	(pc) =	sbr.rel @p0 .LBB2_1-.Ltmp2, $4  }
0x9b: {  	[hbm:s11], [sflag:s6] =	dma.local [spmem:s13], $0x2800  }
0x9c: {  	_ =	swait.ge [sflag:s14], $0x2800  }
0x9d: {  	[sflag:s14] =	ssyncset.done $0x0  }
0x9e: {  	[sflag:s14] =	ssyncadd.s32 $0xFFFFD800  }
0x9f: {  	_ =	sfence.sel $0x180000  }
0xa0: {  	[bflag:$0x0] =	sbarrier.arrive $0xFFFF  }
0xa1: {  	p0 =	sne.s32 s2, $0x0;
	_ =	strace $0x9000004A  }
0xa2: {  	s0 =	sadd.s32 @!p0 $0x100000, s0;
	[bflag:$0x2] =	sbarrier.arrive $0xFFFF  }
0xa3: {  	[sflag:s0] =	ssyncadd.tile.s32 @!p0 $0x1;
	_ =	shalt  }
.Lfunc_end2:
_tile_overlayer_lowered:
.L_overlay_start_2:
0xa4: {  	(tag) =	ssettag $0x2  }
0xa5: {  	s0 =	rddreg [dreg:$0x0];
	s2 =	stileid.u32  }
0xa6: {  	s1 =	rddreg [dreg:$0x1];
	p0 =	sne.s32 s2, $0x0  }
0xa7: {  	s3 =	rddreg [dreg:$0x2];
	[bflag:$0x3] =	sbarrier.arrive $0xFFFF;
	s2 =	simm.s32 @!p0 $0x1C02  }
0xa8: {  	[timem:s3], [sflag:s2] =	dma.local @!p0 [hbm:s0], s1  }
0xa9: {  	s0 =	simm.s32 @!p0 $0x2  }
0xaa: {  	_ =	swait.ge @!p0 [sflag:s0], s1  }
0xab: {  	s1 =	ssub.s32 @!p0 $0x0, s1;
	[sflag:s0] =	ssyncset.done @!p0 $0x0  }
0xac: {  	[sflag:s0] =	ssyncadd.s32 @!p0 s1  }
0xad: {  	[bflag:$0x3] =	sbarrier.arrive $0xFFFF  }
0xae: {  	_ =	shalt  }

// kernel: kernel.8.cloned.1.call-start
scs
__scs_entry_jumppad:
0x0: {  	(pc) =	sbr.rel $0x88, $3  }
0x1: {  	(tag) =	ssettag $0x0;
	lr =	simm.s32 $0x1  }
0x2: {  	[smem:$0x3F99] =	sst lr;
	_ =	strace $0xD0000000  }
0x3: {  	_ = 	snop  }
0x4: {  	_ = 	snop  }
0x5: {  	_ = 	snop  }
0x6: {  	_ = 	snop  }
0x7: {  	_ = 	snop  }
__scs_overlays_trampoline_lowered:
0x8: {  	[smem:$0x3FA8] =	sst s0  }
0x9: {  	[smem:$0x3FA9] =	sst s1  }
0xa: {  	[smem:$0x3FAA] =	sst s2  }
0xb: {  	[smem:$0x3FAB] =	sst s3  }
0xc: {  	[smem:$0x3FAC] =	sst s4  }
0xd: {  	[smem:$0x3FAD] =	sst s5  }
0xe: {  	[smem:$0x3FAE] =	sst s6  }
0xf: {  	[smem:$0x3FAF] =	sst s7  }
0x10: {  	[smem:$0x3FB0] =	sst s8  }
0x11: {  	[smem:$0x3FB1] =	sst s9;
	s0 =	simm.s32 @!p0 $0x0  }
0x12: {  	s1 =	sld [smem:$0x3F97];
	s0 =	simm.s32 @p0 $0x1  }
0x13: {  	[smem:$0x3FB2] =	sst s0;
	s0 =	simm.s32 @!p1 $0x0  }
0x14: {  	s2 =	sld [smem:$0x3F96];
	s0 =	simm.s32 @p1 $0x1  }
0x15: {  	[smem:$0x3FB3] =	sst s0;
	s0 =	simm.s32 @!p2 $0x0  }
0x16: {  	s3 =	sld [smem:$0x3FDB];
	s0 =	simm.s32 @p2 $0x1  }
0x17: {  	s4 =	simm.s32 $0x1BF5;
	[smem:$0x3FB5] =	sst s0  }
0x18: {  	s0 =	sld [smem:$0x3F98];
	_ =	swait.ge [sflag:s4], $0x0  }
0x19: {  	s7 =	sld [smem:$0x3F99]  }
0x1a: {  	s8 =	sadd.s32 $0xFFFFE003, lr  }
0x1b: {  	s9 =	sadd.s32 $0xFFFFFEF7, lr;
	s5 =	simm.s32 $0xFFFFFFFF;
	p2 =	slt.u32 s8, $0xFFFFF086  }
0x1c: {  	p1 =	slt.u32 s9, $0xF7A;
	s5 =	simm.s32 @!p2 $0x0  }
0x1d: {  	s5 =	simm.s32 @p1 $0x1;
	p0 =	seq.s32 s7, s2  }
0x1e: {  	s7 =	smul.u32 @!p0 $0xF7A, s2;
	p2 =	seq.s32 @!p0 s5, $0x0  }
0x1f: {  	s9 =	smul.u32 $0xF7A, s1;
	s8 =	simm.s32 @!p0 $0x1BF5;
	p2 =	por !p2, p0  }
0x20: {  	[sflag:s8] =	ssyncset.s32 @!p0 $0xFFFFF086;
	s6 =	sadd.s32 @!p0 s3, s7;
	s7 =	simm.s32 @!p0 $0x108  }
0x21: {  	s3 =	sadd.s32 s3, s9;
	s6 =	sadd.s32 @!p0 $0x88, s6;
	s7 =	simm.s32 @p2 $0x1082  }
0x22: {  	[simem:s7], [sflag:s8] =	dma.local @!p0 [hbm:s6], $0xF7A  }
0x23: {  	s9 =	sor.u32 $0xD0000000, s2;
	s6 =	simm.s32 $0x108;
	_ =	swait.ge @!p0 [sflag:s8], $0x0  }
0x24: {  	s3 =	sadd.s32 $0x88, s3;
	s6 =	simm.s32 @!p1 $0x1082;
	[sflag:s4] =	ssyncset.s32 $0xFFFFF086  }
0x25: {  	[simem:s6], [sflag:s4] =	dma.local [hbm:s3], $0xF7A  }
0x26: {  	[smem:$0x3F99] =	sst s1;
	(tag) =	ssettag s2;
	_ =	strace s9  }
0x27: {  	s1 =	sld [smem:$0x3FA9]  }
0x28: {  	s2 =	sld [smem:$0x3FAA]  }
0x29: {  	s4 =	sld [smem:$0x3FAC]  }
0x2a: {  	p0 =	seq.s32 s5, $0x0;
	s5 =	sld [smem:$0x3FAD]  }
0x2b: {  	s6 =	sld [smem:$0x3FAE]  }
0x2c: {  	s7 =	sld [smem:$0x3FAF]  }
0x2d: {  	s3 =	simm.s32 $0x108;
	s8 =	sld [smem:$0x3FB0]  }
0x2e: {  	s3 =	simm.s32 @!p0 $0x1082;
	s9 =	sld [smem:$0x3FB1]  }
0x2f: {  	lr =	sadd.s32 s0, s3;
	s0 =	sld [smem:$0x3FA8]  }
0x30: {  	s3 =	sld [smem:$0x3FAB]  }
0x31: {  	[smem:$0x3FB4] =	sst s10  }
0x32: {  	s10 =	sld [smem:$0x3FB2];
	_ =	sdelay $0x3  }
0x33: {  	p0 =	seq.s32 s10, $0x1;
	s10 =	sld [smem:$0x3FB4];
	_ =	sdelay $0x3  }
0x34: {  	[smem:$0x3FB4] =	sst s10  }
0x35: {  	s10 =	sld [smem:$0x3FB3];
	_ =	sdelay $0x3  }
0x36: {  	p1 =	seq.s32 s10, $0x1;
	s10 =	sld [smem:$0x3FB4];
	_ =	sdelay $0x3  }
0x37: {  	[smem:$0x3FB4] =	sst s10  }
0x38: {  	s10 =	sld [smem:$0x3FB5]  }
0x39: {  	_ = 	snop;
	(pc) =	sbr.ind lr, $3  }
0x3a: {  	_ = 	snop  }
0x3b: {  	_ = 	snop  }
0x3c: {  	p2 =	seq.s32 s10, $0x1;
	s10 =	sld [smem:$0x3FB4]  }
0x3d: {  	_ =	shalt  }
0x3e: {  	_ =	shalt  }
0x3f: {  	_ =	shalt  }
0x40: {  	_ =	shalt  }
0x41: {  	_ =	shalt  }
0x42: {  	_ =	shalt  }
0x43: {  	_ =	shalt  }
0x44: {  	_ =	shalt  }
0x45: {  	_ =	shalt  }
0x46: {  	_ =	shalt  }
0x47: {  	_ =	shalt  }
0x48: {  	_ =	shalt  }
0x49: {  	_ =	shalt  }
0x4a: {  	_ =	shalt  }
0x4b: {  	_ =	shalt  }
0x4c: {  	_ =	shalt  }
0x4d: {  	_ =	shalt  }
0x4e: {  	_ =	shalt  }
0x4f: {  	_ =	shalt  }
0x50: {  	_ =	shalt  }
0x51: {  	_ =	shalt  }
0x52: {  	_ =	shalt  }
0x53: {  	_ =	shalt  }
0x54: {  	_ =	shalt  }
0x55: {  	_ =	shalt  }
0x56: {  	_ =	shalt  }
0x57: {  	_ =	shalt  }
0x58: {  	_ =	shalt  }
0x59: {  	_ =	shalt  }
0x5a: {  	_ =	shalt  }
0x5b: {  	_ =	shalt  }
0x5c: {  	_ =	shalt  }
0x5d: {  	_ =	shalt  }
0x5e: {  	_ =	shalt  }
0x5f: {  	_ =	shalt  }
0x60: {  	_ =	shalt  }
0x61: {  	_ =	shalt  }
0x62: {  	_ =	shalt  }
0x63: {  	_ =	shalt  }
0x64: {  	_ =	shalt  }
0x65: {  	_ =	shalt  }
0x66: {  	_ =	shalt  }
0x67: {  	_ =	shalt  }
0x68: {  	_ =	shalt  }
0x69: {  	_ =	shalt  }
0x6a: {  	_ =	shalt  }
0x6b: {  	_ =	shalt  }
0x6c: {  	_ =	shalt  }
0x6d: {  	_ =	shalt  }
0x6e: {  	_ =	shalt  }
0x6f: {  	_ =	shalt  }
0x70: {  	_ =	shalt  }
0x71: {  	_ =	shalt  }
0x72: {  	_ =	shalt  }
0x73: {  	_ =	shalt  }
0x74: {  	_ =	shalt  }
0x75: {  	_ =	shalt  }
0x76: {  	_ =	shalt  }
0x77: {  	_ =	shalt  }
0x78: {  	_ =	shalt  }
0x79: {  	_ =	shalt  }
0x7a: {  	_ =	shalt  }
0x7b: {  	_ =	shalt  }
0x7c: {  	_ =	shalt  }
0x7d: {  	_ =	shalt  }
0x7e: {  	_ =	shalt  }
0x7f: {  	_ =	shalt  }
0x80: {  	_ =	shalt  }
0x81: {  	_ =	shalt  }
0x82: {  	_ =	shalt  }
0x83: {  	_ =	shalt  }
0x84: {  	_ =	shalt  }
0x85: {  	_ =	shalt  }
0x86: {  	_ =	shalt  }
0x87: {  	_ =	shalt  }
.Lfunc_end0:
.L_simem_size_0:
called_computation_lowered:
.L_overlay_start_0:
0x88: {  	s2 =	sld [smem:$0x3FD9]  }
0x89: {  	s3 =	sld [smem:$0x3FFE];
	_ =	sdelay $0x1  }
0x8a: {  	s1 =	srdreg.scid  }
0x8b: {  	s0 =	sand.u32 $0x1, s1  }
0x8c: {  	s16 =	sshll.u32 s0, $0xA;
	s2 =	sadd.s32 s3, s2  }
0x8d: {  	s2 =	sadd.s32 s2, s16  }
0x8e: {  	[smem:$0x3FC0] =	sst s2  }
0x8f: {  	_ = 	snop  }
0x90: {  	(tm) =	ssettm $0x1  }
0x91: {  	s17 =	sld [smem:$0x3FFB];
	_ =	sdelay $0x3  }
0x92: {  	_ =	strace s17  }
0x93: {  	s2 =	sld [smem:$0x3FFC];
	_ =	sdelay $0x3  }
0x94: {  	_ =	strace s2  }
0x95: {  	s2 =	sld [smem:$0x3FFD];
	_ =	sdelay $0x3  }
0x96: {  	_ =	strace s2  }
0x97: {  	_ =	strace $0x8FFFFFFF  }
0x98: {  	s18 =	sld [smem:$0x3FDB];
	_ =	sdelay $0x1  }
0x99: {  	s19 =	simm.s32 $_scs_section_size  }
0x9a: {  	s4 =	simm.s32 $_size__tile_overlayer_lowered;
	s5 =	simm.s32 $_tile_overlayer_lowered  }
0x9b: {  	s22 =	simm.s32 $0x1BFF;
	s21 =	sshll.u32 s5, $0x1;
	s2 =	sadd.s32 s19, s18  }
0x9c: {  	s6 =	simm.s32 $0x0;
	s20 =	sshll.u32 s4, $0x1;
	s4 =	sadd.s32 s21, s2  }
0x9d: {  	[timem:s6], [sflag:s22] =	dma.local [hbm:s4], s20  }
0x9e: {  	_ =	swait.ge [sflag:s22], s20  }
0x9f: {  	s3 =	ssub.s32 $0x0, s20;
	[sflag:s22] =	ssyncset.done $0x0  }
0xa0: {  	[sflag:s22] =	ssyncadd.s32 s3;
	_ =	sdelay $0x1  }
0xa1: {  	s23 =	simm.s32 $0x1B8B  }
0xa2: {  	_ =	swait.ge [sflag:s23], $0x1  }
0xa3: {  	[sflag:s23] =	ssyncset.done $0x0  }
0xa4: {  	s25 =	simm.s32 $0x1B8E;
	s24 =	sld [smem:$0x3FFE];
	[sflag:s23] =	ssyncadd.s32 $0xFFFFFFFF  }
0xa5: {  	s26 =	simm.s32 $execute0_lowered;
	[smem:$0x3FD2] =	sst s25  }
0xa6: {  	s4 =	sshll.u32 s26, $0x1;
	_ =	strace $0x80000046;
	[dreg:$0x1] =	wrdreg $0xFFFFFFFF  }
0xa7: {  	s28 =	simm.s32 $_size_execute0_lowered;
	s2 =	sadd.s32 s2, s4;
	[dreg:$0x0] =	wrdreg $0x0  }
0xa8: {  	s4 =	sshll.u32 s28, $0x1;
	[dreg:$0x2] =	wrdreg s2  }
0xa9: {  	[dreg:$0x3] =	wrdreg s4  }
0xaa: {  	[dreg:$0x4] =	wrdreg $0xC0  }
0xab: {  	_ =	task [dreg:s6], $0x5FFFF  }
0xac: {  	[dreg:$0x1] =	wrdreg $0xFFFFFFFF  }
0xad: {  	[dreg:$0x0] =	wrdreg $0x60  }
0xae: {  	[dreg:$0x2] =	wrdreg s24  }
0xaf: {  	[dreg:$0x3] =	wrdreg $0xA8000  }
0xb0: {  	[dreg:$0x4] =	wrdreg $0x9  }
0xb1: {  	_ =	task.clear_ibuf [dreg:s6], $0x5FFFF;
	_ =	strace $0x90000046  }
0xb2: {  	s29 =	simm.s32 $0x9;
	_ =	strace $0x80000048  }
0xb3: {  	_ =	swait.ge [sflag:s29], $0x1  }
0xb4: {  	[sflag:s29] =	ssyncadd.s32 $0xFFFFFFFF  }
0xb5: {  	_ =	strace $0x90000048  }
0xb6: {  	_ =	sfence  }
0xb7: {  	s30 =	sld [smem:$0x0];
	_ =	sdelay $0x2  }
0xb8: {  	s31 =	sshll.u32 s1, $0xD;
	s1 =	sshrl.u32 s1, $0x2  }
0xb9: {  	s3 =	sand.u32 $0x4000, s31;
	s1 =	sadd.s32 s1, s30  }
0xba: {  	s0 =	sor.u32 s3, s0;
	s1 =	sshll.u32 s1, $0x11  }
0xbb: {  	s0 =	sor.u32 s1, s0  }
0xbc: {  	s0 =	sadd.s32 $0x8F2B, s0  }
0xbd: {  	[sflag:s0] =	ssyncadd.remote.s32 $0x1  }
0xbe: {  	_ =	sfence.sel $0xFFFF  }
0xbf: {  	[dreg:$0x0] =	wrdreg $0xFFFFFFFF;
	(pc) =	sbr.abs _section_cstart, $3  }
0xc0: {  	[dreg:$0x1] =	wrdreg $0xFFFFFFFF  }
0xc1: {  	_ =	task.clear_ibuf [dreg:s6], $0x2FFFF;
	_ =	strace $0x9FFFFFFF  }
0xc2: {  	(tm) =	ssettm $0x7FFFFFFF  }
0xc3: {  	_ =	shalt  }
tec
execute0_lowered:
.L_overlay_start_1:
0x0: {  	(tag) =	ssettag $0x1  }
0x1: {  	s6 =	rddreg [dreg:$0x0]  }
0x2: {  	s1 =	rddreg [dreg:$0x1]  }
0x3: {  	s2 =	srdreg.scid;
	s0 =	rddreg [dreg:$0x2]  }
0x4: {  	s3 =	simm.s32 $0x0;
	s16 =	simm.s32 $0x1;
	s17 =	simm.s32 $0x80  }
0x5: {  	s18 =	simm.s32 $0x2800;
	s19 =	simm.s32 $0x6800;
	s20 =	simm.s32 $0x1380  }
0x6: {  	s21 =	simm.s32 $0x2700;
	s22 =	simm.s32 $0x2780;
	s23 =	simm.s32 $0x0  }
0x7: {  	s7 =	sand.u32 $0x1, s2;
	s2 =	stileid.u32;
	[smem:$0x7FF] =	sst s3  }
0x8: {  	s4 =	sadd.s32 $0x17200, s6;
	s10 =	sadd.s32 $0xD200, s6;
	s8 =	smul.u32 $0x140000, s7  }
0x9: {  	s11 =	sadd.s32 $0x3200, s6;
	s5 =	sadd.s32 $0x67200, s6;
	s9 =	smul.u32 $0x14000, s2  }
0xa: {  	_ =	strace $0x80000047;
	s24 =	ssub.s32 $0x2, s7;
	s7 =	sshll.u32 s7, $0x4  }
0xb: {  	s13 =	smul.u32 $0x50000, s2;
	s28 =	sshll.u32 s2, $0x6;
	s7 =	sor.u32 s2, s7  }
0xc: {  	s12 =	sshrl.u32 s24, $0x1;
	s8 =	sadd.s32 s9, s8;
	s25 =	smul.u32 $0x2800, s7  }
0xd: {  	s12 =	ssub.s32 s24, s12;
	s26 =	sshrl.u32 s13, $0x2;
	s29 =	smul.u32 $0x500, s7  }
0xe: {  	s8 =	sshrl.u32 s8, $0x3;
	s15 =	sadd.s32 s26, s1;
	s12 =	smax.u32 s12, $0x1  }
0xf: {  	s14 =	sadd.s32 s8, s6;
	s6 =	sor.u32 $0x1C02, s28;
	s30 =	sshrl.u32 s25, $0x3  }
0x10: {  	s7 =	sadd.s32 s10, s29;
	s8 =	sadd.s32 s11, s29;
	s31 =	sadd.s32 $0x280, s30  }
0x11: {  	s13 =	sshrl.u32 s15, $0x3;
	s15 =	simm.s32 $0x1400;
	s9 =	sadd.s32 s10, s31  }
0x12: {  	s10 =	sadd.s32 s11, s31;
	s11 =	sadd.s32 $0x69A00, s14;
	s14 =	simm.s32 $0x2  }
.LBB2_1:
0x13: {  	[spmem:s13], [sflag:s6] =	dma.local [hbm:s5], $0x2800  }
0x14: {  	_ =	swait.ge [sflag:s14], $0x2800  }
0x15: {  	[sflag:s14] =	ssyncset.done $0x0  }
0x16: {  	[sflag:s14] =	ssyncadd.s32 $0xFFFFD800  }
0x17: {  	[bflag:$0x0] =	sbarrier.arrive $0xFFFF  }
0x18: {  	[tilespmem:s3], [sflag:$0x1] =	stream.linear.gather [hbm4b:s7+s3], $0x1400, $0x38;
	[tilespmem:$0x1E800] =	vst v63  }
0x19: {  	_ = 	snop  }
0x1a: {  	[tilespmem:s15], [sflag:$0x1] =	stream.linear.gather [hbm4b:s8+s3], $0x1400, $0x38;
	[tilespmem:$0x1E800] =	vst v63  }
0x1b: {  	_ =	swait.ge [sflag:s16], $0x1400  }
0x1c: {  	[sflag:s16] =	ssyncset.done $0x0  }
0x1d: {  	[sflag:s16] =	ssyncadd.s32 $0xFFFFEC00  }
0x1e: {  	_ =	swait.ge [sflag:s16], $0x1400  }
0x1f: {  	[sflag:s16] =	ssyncset.done $0x0  }
0x20: {  	[sflag:s16] =	ssyncadd.s32 $0xFFFFEC00  }
0x21: {  	[tilespmem:s18], [sflag:$0x1] =	stream.indirect.gather [hbm4b:s4+s17], $0x80, s3, s17, $0xb8;
	[tilespmem:$0x1E800] =	vst v63  }
0x22: {  	_ =	swait.ge [sflag:s16], $0x4000  }
0x23: {  	[sflag:s16] =	ssyncset.done $0x0  }
0x24: {  	s24 =	simm.s32 $0x80;
	[sflag:s16] =	ssyncadd.s32 $0xFFFFC000  }
0x25: {  	[tilespmem:s19], [sflag:$0x1] =	stream.indirect.gather [hbm4b:s4+s17], $0x80, s24, s17, $0xb8;
	[tilespmem:$0x1E800] =	vst v63  }
0x26: {  	s29 =	simm.s32 $0x1400  }
0x27: {  	[spmem:s1] =	stream.indirect.scatter.add.f32 [tilespmem:s18], [sflag:$0x2], $0x80, s29, s17, $0xb8;
	[tilespmem:$0x1E800] =	vst v63  }
0x28: {  	_ =	swait.ge [sflag:s14], $0x4000  }
0x29: {  	[sflag:s14] =	ssyncset.done $0x0  }
0x2a: {  	[sflag:s14] =	ssyncadd.s32 $0xFFFFC000  }
0x2b: {  	_ =	swait.ge [sflag:s16], $0x4000  }
0x2c: {  	[sflag:s16] =	ssyncset.done $0x0  }
0x2d: {  	s30 =	simm.s32 $0x100;
	[sflag:s16] =	ssyncadd.s32 $0xFFFFC000  }
0x2e: {  	[tilespmem:s18], [sflag:$0x1] =	stream.indirect.gather [hbm4b:s4+s17], $0x80, s30, s17, $0xb8;
	[tilespmem:$0x1E800] =	vst v63  }
0x2f: {  	s31 =	simm.s32 $0x1480  }
0x30: {  	[spmem:s1] =	stream.indirect.scatter.add.f32 [tilespmem:s19], [sflag:$0x2], $0x80, s31, s17, $0xb8;
	[tilespmem:$0x1E800] =	vst v63  }
0x31: {  	_ =	swait.ge [sflag:s14], $0x4000  }
0x32: {  	s24 =	simm.s32 $0x400;
	[sflag:s14] =	ssyncset.done $0x0  }
.LBB2_2:
0x33: {  	p0 =	sne.s32 s24, $0x4800  }
0x34: {  	[sflag:s14] =	ssyncadd.s32 $0xFFFFC000;
	s25 =	smov.u32 s24;
	s24 =	sadd.s32 $0x400, s24  }
0x35: {  	_ = 	snop  }
0x36: {  	_ =	swait.ge [sflag:s16], $0x4000  }
0x37: {  	s25 =	sshra.s32 s25, $0x2;
	[sflag:s16] =	ssyncset.done $0x0  }
0x38: {  	s26 =	sadd.s32 $0x80, s25;
	[sflag:s16] =	ssyncadd.s32 $0xFFFFC000  }
0x39: {  	[tilespmem:s19], [sflag:$0x1] =	stream.indirect.gather [hbm4b:s4+s17], $0x80, s26, s17, $0xb8;
	[tilespmem:$0x1E800] =	vst v63  }
0x3a: {  	s26 =	sadd.s32 $0x1400, s25  }
0x3b: {  	[spmem:s1] =	stream.indirect.scatter.add.f32 [tilespmem:s18], [sflag:$0x2], $0x80, s26, s17, $0xb8;
	[tilespmem:$0x1E800] =	vst v63  }
0x3c: {  	_ =	swait.ge [sflag:s14], $0x4000  }
0x3d: {  	[sflag:s14] =	ssyncset.done $0x0  }
0x3e: {  	[sflag:s14] =	ssyncadd.s32 $0xFFFFC000  }
0x3f: {  	_ =	swait.ge [sflag:s16], $0x4000  }
0x40: {  	[sflag:s16] =	ssyncset.done $0x0  }
0x41: {  	s26 =	sadd.s32 $0x100, s25;
	[sflag:s16] =	ssyncadd.s32 $0xFFFFC000  }
0x42: {  	[tilespmem:s18], [sflag:$0x1] =	stream.indirect.gather [hbm4b:s4+s17], $0x80, s26, s17, $0xb8;
	[tilespmem:$0x1E800] =	vst v63  }
.Ltmp0:
0x43: {  	_ = 	snop;
	(pc) =	sbr.rel @p0 .LBB2_2-.Ltmp0, $4  }
0x44: {  	s25 =	sadd.s32 $0x1480, s25  }
0x45: {  	[spmem:s1] =	stream.indirect.scatter.add.f32 [tilespmem:s19], [sflag:$0x2], $0x80, s25, s17, $0xb8;
	[tilespmem:$0x1E800] =	vst v63  }
0x46: {  	_ =	swait.ge [sflag:s14], $0x4000  }
0x47: {  	[sflag:s14] =	ssyncset.done $0x0  }
0x48: {  	[sflag:s14] =	ssyncadd.s32 $0xFFFFC000  }
0x49: {  	_ =	swait.ge [sflag:s16], $0x4000  }
0x4a: {  	[sflag:s16] =	ssyncset.done $0x0  }
0x4b: {  	[sflag:s16] =	ssyncadd.s32 $0xFFFFC000  }
0x4c: {  	[tilespmem:s19], [sflag:$0x1] =	stream.indirect.gather [hbm4b:s4+s17], $0x80, s20, s17, $0xb8;
	[tilespmem:$0x1E800] =	vst v63  }
0x4d: {  	_ = 	snop  }
0x4e: {  	[spmem:s1] =	stream.indirect.scatter.add.f32 [tilespmem:s18], [sflag:$0x2], $0x80, s21, s17, $0xb8;
	[tilespmem:$0x1E800] =	vst v63  }
0x4f: {  	_ =	swait.ge [sflag:s14], $0x4000  }
0x50: {  	[sflag:s14] =	ssyncset.done $0x0  }
0x51: {  	[sflag:s14] =	ssyncadd.s32 $0xFFFFC000  }
0x52: {  	_ =	swait.ge [sflag:s16], $0x4000  }
0x53: {  	[sflag:s16] =	ssyncset.done $0x0  }
0x54: {  	[sflag:s16] =	ssyncadd.s32 $0xFFFFC000  }
0x55: {  	[spmem:s1] =	stream.indirect.scatter.add.f32 [tilespmem:s19], [sflag:$0x2], $0x80, s22, s17, $0xb8;
	[tilespmem:$0x1E800] =	vst v63  }
0x56: {  	_ =	swait.ge [sflag:s14], $0x4000  }
0x57: {  	[sflag:s14] =	ssyncset.done $0x0  }
0x58: {  	s24 =	simm.s32 $0x0;
	[sflag:s14] =	ssyncadd.s32 $0xFFFFC000  }
0x59: {  	[tilespmem:s24], [sflag:$0x1] =	stream.linear.gather [hbm4b:s9+s24], $0x1400, $0x38;
	[tilespmem:$0x1E800] =	vst v63  }
0x5a: {  	_ = 	snop  }
0x5b: {  	[tilespmem:s15], [sflag:$0x1] =	stream.linear.gather [hbm4b:s10+s24], $0x1400, $0x38;
	[tilespmem:$0x1E800] =	vst v63  }
0x5c: {  	_ =	swait.ge [sflag:s16], $0x1400  }
0x5d: {  	[sflag:s16] =	ssyncset.done $0x0  }
0x5e: {  	[sflag:s16] =	ssyncadd.s32 $0xFFFFEC00  }
0x5f: {  	_ =	swait.ge [sflag:s16], $0x1400  }
0x60: {  	[sflag:s16] =	ssyncset.done $0x0  }
0x61: {  	[sflag:s16] =	ssyncadd.s32 $0xFFFFEC00  }
0x62: {  	[tilespmem:s18], [sflag:$0x1] =	stream.indirect.gather [hbm4b:s4+s17], $0x80, s24, s17, $0xb8;
	[tilespmem:$0x1E800] =	vst v63  }
0x63: {  	_ =	swait.ge [sflag:s16], $0x4000  }
0x64: {  	[sflag:s16] =	ssyncset.done $0x0  }
0x65: {  	s28 =	simm.s32 $0x80;
	[sflag:s16] =	ssyncadd.s32 $0xFFFFC000  }
0x66: {  	[tilespmem:s19], [sflag:$0x1] =	stream.indirect.gather [hbm4b:s4+s17], $0x80, s28, s17, $0xb8;
	[tilespmem:$0x1E800] =	vst v63  }
0x67: {  	s29 =	simm.s32 $0x1400  }
0x68: {  	[spmem:s1] =	stream.indirect.scatter.add.f32 [tilespmem:s18], [sflag:$0x2], $0x80, s29, s17, $0xb8;
	[tilespmem:$0x1E800] =	vst v63  }
0x69: {  	_ =	swait.ge [sflag:s14], $0x4000  }
0x6a: {  	[sflag:s14] =	ssyncset.done $0x0  }
0x6b: {  	[sflag:s14] =	ssyncadd.s32 $0xFFFFC000  }
0x6c: {  	_ =	swait.ge [sflag:s16], $0x4000  }
0x6d: {  	[sflag:s16] =	ssyncset.done $0x0  }
0x6e: {  	s30 =	simm.s32 $0x100;
	[sflag:s16] =	ssyncadd.s32 $0xFFFFC000  }
0x6f: {  	[tilespmem:s18], [sflag:$0x1] =	stream.indirect.gather [hbm4b:s4+s17], $0x80, s30, s17, $0xb8;
	[tilespmem:$0x1E800] =	vst v63  }
0x70: {  	s31 =	simm.s32 $0x1480  }
0x71: {  	[spmem:s1] =	stream.indirect.scatter.add.f32 [tilespmem:s19], [sflag:$0x2], $0x80, s31, s17, $0xb8;
	[tilespmem:$0x1E800] =	vst v63  }
0x72: {  	_ =	swait.ge [sflag:s14], $0x4000  }
0x73: {  	s24 =	simm.s32 $0x400;
	[sflag:s14] =	ssyncset.done $0x0  }
.LBB2_4:
0x74: {  	p0 =	sne.s32 s24, $0x4800  }
0x75: {  	[sflag:s14] =	ssyncadd.s32 $0xFFFFC000;
	s25 =	smov.u32 s24;
	s24 =	sadd.s32 $0x400, s24  }
0x76: {  	_ = 	snop  }
0x77: {  	_ =	swait.ge [sflag:s16], $0x4000  }
0x78: {  	s25 =	sshra.s32 s25, $0x2;
	[sflag:s16] =	ssyncset.done $0x0  }
0x79: {  	s26 =	sadd.s32 $0x80, s25;
	[sflag:s16] =	ssyncadd.s32 $0xFFFFC000  }
0x7a: {  	[tilespmem:s19], [sflag:$0x1] =	stream.indirect.gather [hbm4b:s4+s17], $0x80, s26, s17, $0xb8;
	[tilespmem:$0x1E800] =	vst v63  }
0x7b: {  	s26 =	sadd.s32 $0x1400, s25  }
0x7c: {  	[spmem:s1] =	stream.indirect.scatter.add.f32 [tilespmem:s18], [sflag:$0x2], $0x80, s26, s17, $0xb8;
	[tilespmem:$0x1E800] =	vst v63  }
0x7d: {  	_ =	swait.ge [sflag:s14], $0x4000  }
0x7e: {  	[sflag:s14] =	ssyncset.done $0x0  }
0x7f: {  	[sflag:s14] =	ssyncadd.s32 $0xFFFFC000  }
0x80: {  	_ =	swait.ge [sflag:s16], $0x4000  }
0x81: {  	[sflag:s16] =	ssyncset.done $0x0  }
0x82: {  	s26 =	sadd.s32 $0x100, s25;
	[sflag:s16] =	ssyncadd.s32 $0xFFFFC000  }
0x83: {  	[tilespmem:s18], [sflag:$0x1] =	stream.indirect.gather [hbm4b:s4+s17], $0x80, s26, s17, $0xb8;
	[tilespmem:$0x1E800] =	vst v63  }
.Ltmp1:
0x84: {  	_ = 	snop;
	(pc) =	sbr.rel @p0 .LBB2_4-.Ltmp1, $4  }
0x85: {  	s25 =	sadd.s32 $0x1480, s25  }
0x86: {  	[spmem:s1] =	stream.indirect.scatter.add.f32 [tilespmem:s19], [sflag:$0x2], $0x80, s25, s17, $0xb8;
	[tilespmem:$0x1E800] =	vst v63  }
0x87: {  	_ =	swait.ge [sflag:s14], $0x4000  }
0x88: {  	[sflag:s14] =	ssyncset.done $0x0  }
0x89: {  	[sflag:s14] =	ssyncadd.s32 $0xFFFFC000  }
0x8a: {  	_ =	swait.ge [sflag:s16], $0x4000  }
0x8b: {  	[sflag:s16] =	ssyncset.done $0x0  }
0x8c: {  	[sflag:s16] =	ssyncadd.s32 $0xFFFFC000  }
0x8d: {  	[tilespmem:s19], [sflag:$0x1] =	stream.indirect.gather [hbm4b:s4+s17], $0x80, s20, s17, $0xb8;
	[tilespmem:$0x1E800] =	vst v63  }
0x8e: {  	_ = 	snop  }
0x8f: {  	[spmem:s1] =	stream.indirect.scatter.add.f32 [tilespmem:s18], [sflag:$0x2], $0x80, s21, s17, $0xb8;
	[tilespmem:$0x1E800] =	vst v63  }
0x90: {  	_ =	swait.ge [sflag:s14], $0x4000  }
0x91: {  	[sflag:s14] =	ssyncset.done $0x0  }
0x92: {  	[sflag:s14] =	ssyncadd.s32 $0xFFFFC000  }
0x93: {  	_ =	swait.ge [sflag:s16], $0x4000  }
0x94: {  	[sflag:s16] =	ssyncset.done $0x0  }
0x95: {  	[sflag:s16] =	ssyncadd.s32 $0xFFFFC000  }
0x96: {  	[spmem:s1] =	stream.indirect.scatter.add.f32 [tilespmem:s19], [sflag:$0x2], $0x80, s22, s17, $0xb8;
	[tilespmem:$0x1E800] =	vst v63  }
0x97: {  	_ =	swait.ge [sflag:s14], $0x4000  }
0x98: {  	s23 =	sadd.s32 $0x1, s23;
	[sflag:s14] =	ssyncset.done $0x0  }
0x99: {  	p0 =	sne.s32 s23, s12;
	[sflag:s14] =	ssyncadd.s32 $0xFFFFC000  }
.Ltmp2:
0x9a: {  	[bflag:$0x0] =	sbarrier.arrive $0xFFFF;
	(pc) =	sbr.rel @p0 .LBB2_1-.Ltmp2, $4  }
0x9b: {  	[hbm:s11], [sflag:s6] =	dma.local [spmem:s13], $0x2800  }
0x9c: {  	_ =	swait.ge [sflag:s14], $0x2800  }
0x9d: {  	[sflag:s14] =	ssyncset.done $0x0  }
0x9e: {  	[sflag:s14] =	ssyncadd.s32 $0xFFFFD800  }
0x9f: {  	_ =	sfence.sel $0x180000  }
0xa0: {  	[bflag:$0x0] =	sbarrier.arrive $0xFFFF  }
0xa1: {  	p0 =	sne.s32 s2, $0x0;
	_ =	strace $0x90000047  }
0xa2: {  	s0 =	sadd.s32 @!p0 $0x100000, s0;
	[bflag:$0x2] =	sbarrier.arrive $0xFFFF  }
0xa3: {  	[sflag:s0] =	ssyncadd.tile.s32 @!p0 $0x1;
	_ =	shalt  }
.Lfunc_end2:
_tile_overlayer_lowered:
.L_overlay_start_2:
0xa4: {  	(tag) =	ssettag $0x2  }
0xa5: {  	s0 =	rddreg [dreg:$0x0];
	s2 =	stileid.u32  }
0xa6: {  	s1 =	rddreg [dreg:$0x1];
	p0 =	sne.s32 s2, $0x0  }
0xa7: {  	s3 =	rddreg [dreg:$0x2];
	[bflag:$0x3] =	sbarrier.arrive $0xFFFF;
	s2 =	simm.s32 @!p0 $0x1C02  }
0xa8: {  	[timem:s3], [sflag:s2] =	dma.local @!p0 [hbm:s0], s1  }
0xa9: {  	s0 =	simm.s32 @!p0 $0x2  }
0xaa: {  	_ =	swait.ge @!p0 [sflag:s0], s1  }
0xab: {  	s1 =	ssub.s32 @!p0 $0x0, s1;
	[sflag:s0] =	ssyncset.done @!p0 $0x0  }
0xac: {  	[sflag:s0] =	ssyncadd.s32 @!p0 s1  }
0xad: {  	[bflag:$0x3] =	sbarrier.arrive $0xFFFF  }
0xae: {  	_ =	shalt  }

</sc_bundles>
